<compile_context>
chip_gen: v7x
topology: tpu7x:2x2x1
jax: 0.10.2.dev20260603
libtpu: 0.0.44.dev20260713+nightly
codegen_flags: <defaults>
</compile_context>

<pallas_src>
import functools

import jax
import jax.numpy as jnp
from jax import lax
from jax.experimental import pallas as pl
from jax.experimental.pallas import tpu as pltpu
from jax.experimental.pallas import tpu_sc as plsc

N_NODES = 10000
N_EDGES = 160000
D_IN = 256
D_HID = 256
D_OUT = 64

NC = 2
NS = 16
L = 16
DH = D_IN // 2
CH = 128
NCHUNKS = N_EDGES // CH
R_MAIN = 624
TAIL = 16
TAIL_OFF = N_NODES - TAIL


def _fill(ref, nrows, ncols, value):
    vec = jnp.full((L,), value, jnp.float32)

    def body(i, carry):
        for j in range(ncols // L):
            ref[i, pl.ds(j * L, L)] = vec
        return carry

    lax.fori_loop(0, nrows, body, 0)


def _zero_span(tmpl, dst, r0):
    for j in range(4):
        pltpu.sync_copy(tmpl, dst.at[pl.ds(r0 + j * CH, CH)])
    pltpu.sync_copy(tmpl.at[pl.ds(0, R_MAIN - 4 * CH)],
                    dst.at[pl.ds(r0 + 4 * CH, R_MAIN - 4 * CH)])


def _zero_acc(tmpl, acc, s, r0):
    _zero_span(tmpl, acc, r0)

    @pl.when(s == 0)
    def _():
        pltpu.sync_copy(tmpl.at[pl.ds(0, TAIL)], acc.at[pl.ds(TAIL_OFF, TAIL)])


def _dump_acc(acc, out, c, s, r0):
    pltpu.sync_copy(acc.at[pl.ds(r0, R_MAIN)], out.at[c, pl.ds(r0, R_MAIN)])

    @pl.when(s == 0)
    def _():
        pltpu.sync_copy(acc.at[pl.ds(TAIL_OFF, TAIL)],
                        out.at[c, pl.ds(TAIL_OFF, TAIL)])


def _mesh():
    return plsc.VectorSubcoreMesh(core_axis_name="c", subcore_axis_name="s",
                                  num_cores=NC, num_subcores=NS)


@functools.cache
def _build_sc_agg1():
    @functools.partial(
        pl.kernel,
        out_type=[
            jax.ShapeDtypeStruct((NC, N_NODES, DH), jnp.float32),
            jax.ShapeDtypeStruct((NC, N_NODES, DH), jnp.float32),
        ],
        mesh=_mesh(),
        scratch_types=[
            pltpu.VMEM_SHARED((N_NODES, DH), jnp.float32),
            pltpu.VMEM((CH,), jnp.int32),
            pltpu.VMEM((1, CH), jnp.int32),
            pltpu.VMEM((CH, DH), jnp.float32),
            pltpu.SemaphoreType.DMA,
        ],
    )
    def sc_agg1(xcat, srcx, dst, agg_out, deg_out, acc, sbuf, dbuf, rows, sem):
        c = lax.axis_index("c")
        s = lax.axis_index("s")
        wid = s * NC + c
        r0 = s * R_MAIN

        _fill(rows, CH, DH, 0.0)
        _zero_acc(rows, acc, s, r0)
        _fill(rows, CH, DH, 1.0)
        plsc.subcore_barrier()

        def deg_body(k, carry):
            chunk = k * (NC * NS) + wid

            @pl.when(chunk < NCHUNKS)
            def _():
                pltpu.sync_copy(dst.at[pl.ds(chunk * CH, CH)], dbuf.at[0])
                pltpu.sync_copy(rows, acc.at[dbuf.at[0]], add=True)

            return carry

        lax.fori_loop(0, (NCHUNKS + NC * NS - 1) // (NC * NS), deg_body, 0)

        plsc.subcore_barrier()
        _dump_acc(acc, deg_out, c, s, r0)
        _fill(rows, CH, DH, 0.0)
        _zero_acc(rows, acc, s, r0)
        plsc.subcore_barrier()

        def chunk_body(k, carry):
            chunk = k * NS + s

            @pl.when(chunk < NCHUNKS)
            def _():
                off = chunk * CH
                pltpu.sync_copy(srcx.at[pl.ds(c * N_EDGES + off, CH)], sbuf)
                pltpu.sync_copy(dst.at[pl.ds(off, CH)], dbuf.at[0])
                pltpu.async_copy(xcat.at[sbuf], rows, sem).wait()
                pltpu.sync_copy(rows, acc.at[dbuf.at[0]], add=True)

            return carry

        lax.fori_loop(0, (NCHUNKS + NS - 1) // NS, chunk_body, 0)

        plsc.subcore_barrier()
        _dump_acc(acc, agg_out, c, s, r0)

    return sc_agg1


@functools.cache
def _build_sc_agg2():
    @functools.partial(
        pl.kernel,
        out_type=jax.ShapeDtypeStruct((NC, N_NODES, DH), jnp.float32),
        mesh=_mesh(),
        scratch_types=[
            pltpu.VMEM_SHARED((N_NODES, DH), jnp.float32),
            pltpu.VMEM((CH,), jnp.int32),
            pltpu.VMEM((1, CH), jnp.int32),
            pltpu.VMEM((CH, DH), jnp.float32),
            pltpu.SemaphoreType.DMA,
        ],
    )
    def sc_agg2(sp, src, dst, agg_out, acc, sbuf, dbuf, rows, sem):
        c = lax.axis_index("c")
        s = lax.axis_index("s")
        wid = s * NC + c
        r0 = s * R_MAIN

        _fill(rows, CH, DH, 0.0)
        _zero_acc(rows, acc, s, r0)
        plsc.subcore_barrier()

        def chunk_body(k, carry):
            chunk = k * (NC * NS) + wid

            @pl.when(chunk < NCHUNKS)
            def _():
                off = chunk * CH
                pltpu.sync_copy(src.at[pl.ds(off, CH)], sbuf)
                pltpu.sync_copy(dst.at[pl.ds(off, CH)], dbuf.at[0])
                pltpu.async_copy(sp.at[sbuf], rows, sem).wait()
                pltpu.sync_copy(rows, acc.at[dbuf.at[0]], add=True)

            return carry

        lax.fori_loop(0, (NCHUNKS + NC * NS - 1) // (NC * NS), chunk_body, 0)

        plsc.subcore_barrier()
        _dump_acc(acc, agg_out, c, s, r0)

    return sc_agg2


BLK = 1000


def _tc_layer1_body(x_ref, agg_ref, deg_ref, w1_ref, b1_ref, w2_ref,
                    h1_ref, sp_ref):
    deg = deg_ref[0, :, 0:1] + deg_ref[1, :, 0:1]
    inv = 1.0 / jnp.maximum(deg, 1.0)
    mean = jnp.concatenate([agg_ref[0], agg_ref[1]], axis=1) * inv
    xm = jnp.concatenate([x_ref[...], mean], axis=1)
    h1 = jnp.dot(xm, w1_ref[...], preferred_element_type=jnp.float32) + b1_ref[...]
    h1_ref[...] = h1
    hb = jnp.maximum(h1, 0.0)
    sp_ref[...] = jnp.dot(hb, w2_ref[...], preferred_element_type=jnp.float32)


_tc_layer1 = pl.pallas_call(
    _tc_layer1_body,
    grid=(N_NODES // BLK,),
    in_specs=[
        pl.BlockSpec((BLK, D_IN), lambda i: (i, 0)),
        pl.BlockSpec((NC, BLK, DH), lambda i: (0, i, 0)),
        pl.BlockSpec((NC, BLK, DH), lambda i: (0, i, 0)),
        pl.BlockSpec((2 * D_IN, D_HID), lambda i: (0, 0)),
        pl.BlockSpec((1, D_HID), lambda i: (0, 0)),
        pl.BlockSpec((D_HID, 2 * D_OUT), lambda i: (0, 0)),
    ],
    out_specs=[
        pl.BlockSpec((BLK, D_HID), lambda i: (i, 0)),
        pl.BlockSpec((BLK, 2 * D_OUT), lambda i: (i, 0)),
    ],
    out_shape=[
        jax.ShapeDtypeStruct((N_NODES, D_HID), jnp.float32),
        jax.ShapeDtypeStruct((N_NODES, 2 * D_OUT), jnp.float32),
    ],
)


def _tc_final_body(sp_ref, agg2_ref, deg_ref, b2_ref, out_ref):
    deg = deg_ref[0, :, 0:1] + deg_ref[1, :, 0:1]
    inv = 1.0 / jnp.maximum(deg, 1.0)
    aggp = agg2_ref[0, :, D_OUT:] + agg2_ref[1, :, D_OUT:]
    out_ref[...] = sp_ref[:, :D_OUT] + aggp * inv + b2_ref[...]


_tc_final = pl.pallas_call(
    _tc_final_body,
    grid=(N_NODES // BLK,),
    in_specs=[
        pl.BlockSpec((BLK, 2 * D_OUT), lambda i: (i, 0)),
        pl.BlockSpec((NC, BLK, DH), lambda i: (0, i, 0)),
        pl.BlockSpec((NC, BLK, DH), lambda i: (0, i, 0)),
        pl.BlockSpec((1, D_OUT), lambda i: (0, 0)),
    ],
    out_specs=pl.BlockSpec((BLK, D_OUT), lambda i: (i, 0)),
    out_shape=jax.ShapeDtypeStruct((N_NODES, D_OUT), jnp.float32),
)


def kernel(x, edge_index, hist, replica_mask,
           W_self1, W_neigh1, b1, W_self2, W_neigh2, b2, gate):
    src = edge_index[0]
    dst = edge_index[1]
    srcx = jnp.concatenate([src, src + N_NODES])
    xcat = x.reshape(N_NODES, NC, DH).transpose(1, 0, 2).reshape(NC * N_NODES, DH)
    agg1, degtab = _build_sc_agg1()(xcat, srcx, dst)
    W1 = jnp.concatenate([W_self1, W_neigh1], axis=0)
    W2 = jnp.concatenate([W_self2, W_neigh2], axis=1)
    h1, sp = _tc_layer1(x, agg1, degtab, W1, b1.reshape(1, -1), W2)
    agg2 = _build_sc_agg2()(sp, src, dst)
    h2 = _tc_final(sp, agg2, degtab, b2.reshape(1, -1))
    return h2, h1

# --- scband reference (transcript-rebuilt; emitter-appended) ---
"""Pipeline reference for scband-sage2-63651415326801 (READ-ONLY COPY).

The authoritative reference and input builder live on the scoring server;
editing this copy changes nothing except your own understanding.
"""

import jax, jax.numpy as jnp
import numpy as np

N_NODES = 10000
N_EDGES = 160000
D_IN = 256
D_HID = 256
D_OUT = 64


def sage_conv(x, src, dst, W_self, W_neigh, b, n_nodes):
    # DGL SAGEConv with 'mean' aggregation:
    # rst = fc_self(h_dst) + fc_neigh(mean_{u in N(v)} h_u) + bias
    msgs = x[src]
    agg = jax.ops.segment_sum(msgs, dst, num_segments=n_nodes)
    deg = jax.ops.segment_sum(jnp.ones((dst.shape[0],), dtype=x.dtype), dst, num_segments=n_nodes)
    mean_neigh = agg / jnp.clip(deg, 1.0)[:, None]
    return x @ W_self + mean_neigh @ W_neigh + b


def setup_inputs(seed: int = 0) -> dict:
    key = jax.random.key(seed)
    ks = jax.random.split(key, 12)
    x = jax.random.normal(ks[0], (N_NODES, D_IN), dtype=jnp.float32)
    edge_index = jax.random.randint(ks[1], (2, N_EDGES), 0, N_NODES, dtype=jnp.int32)
    hist = jax.random.normal(ks[2], (N_NODES, D_HID), dtype=jnp.float32)
    replica_mask = jax.random.randint(ks[3], (N_NODES,), 0, 2, dtype=jnp.int32).astype(bool)
    W_self1 = jax.random.normal(ks[4], (D_IN, D_HID), dtype=jnp.float32) * (1.0 / np.sqrt(D_IN))
    W_neigh1 = jax.random.normal(ks[5], (D_IN, D_HID), dtype=jnp.float32) * (1.0 / np.sqrt(D_IN))
    b1 = jnp.zeros((D_HID,), dtype=jnp.float32)
    W_self2 = jax.random.normal(ks[6], (D_HID, D_OUT), dtype=jnp.float32) * (1.0 / np.sqrt(D_HID))
    W_neigh2 = jax.random.normal(ks[7], (D_HID, D_OUT), dtype=jnp.float32) * (1.0 / np.sqrt(D_HID))
    b2 = jnp.zeros((D_OUT,), dtype=jnp.float32)
    gate = jnp.asarray(0.5, dtype=jnp.float32)
    return {
        "x": x, "edge_index": edge_index, "hist": hist, "replica_mask": replica_mask,
        "W_self1": W_self1, "W_neigh1": W_neigh1, "b1": b1,
        "W_self2": W_self2, "W_neigh2": W_neigh2, "b2": b2, "gate": gate,
    }


def reference(x, edge_index, hist, replica_mask, W_self1, W_neigh1, b1, W_self2, W_neigh2, b2, gate):
    n = x.shape[0]
    src = edge_index[0]
    dst = edge_index[1]
    # layer 0
    h1 = sage_conv(x, src, dst, W_self1, W_neigh1, b1, n)
    # layer_output = h[idx].clone().detach() per node -> detached dense tensor
    layer_output = jax.lax.stop_gradient(h1)
    # gated history update for replica nodes (hist_dict is node_dict, updated in place)
    gate_value = jax.nn.sigmoid(gate)
    norm_hist = hist / (jnp.linalg.norm(hist, axis=1, keepdims=True) + 1e-6)
    norm_feature = layer_output / (jnp.linalg.norm(layer_output, axis=1, keepdims=True) + 1e-6)
    gated = gate_value * norm_hist + (1.0 - gate_value) * norm_feature
    hist_after_gate = jnp.where(replica_mask[:, None], gated, hist)
    # then the loop `for node_id in node_ids: node_dict[...] = layer_output[...]`
    # overwrites ALL in-subgraph entries with layer_output (all nodes here),
    # so the final node_dict equals layer_output for every node.
    del hist_after_gate
    new_hist = layer_output
    # relu + dropout (dropout is identity in eval/deterministic mode)
    h = jax.nn.relu(h1)
    # layer 1 (last layer, no activation)
    h2 = sage_conv(h, src, dst, W_self2, W_neigh2, b2, n)
    return h2, new_hist

if __name__ == "__main__":
    import jax
    _d = setup_inputs()
    print(jax.jit(kernel)(*tuple(_d.values())))

</pallas_src>

<mosaic_0001>
#map = affine_map<(d0, d1) -> (0, 0)>
#map1 = affine_map<(d0, d1) -> (0)>
#map2 = affine_map<(d0, d1) -> (0, 0, 0)>
module attributes {stable_mosaic.version = 14 : i64} {
  func.func @sc_agg1(%arg0: i32, %arg1: i32, %arg2: memref<20000x128xf32, #tpu.memory_space<hbm>>, %arg3: memref<320000xi32, #tpu.memory_space<hbm>>, %arg4: memref<160000xi32, #tpu.memory_space<hbm>>, %arg5: memref<2x10000x128xf32, #tpu.memory_space<hbm>>, %arg6: memref<2x10000x128xf32, #tpu.memory_space<hbm>>, %arg7: memref<10000x128xf32, #tpu.memory_space<vmem_shared>>, %arg8: memref<128xi32, #tpu.memory_space<vmem>>, %arg9: memref<1x128xi32, #tpu.memory_space<vmem>>, %arg10: memref<128x128xf32, #tpu.memory_space<vmem>>, %arg11: memref<!tpu.dma_semaphore, #tpu.memory_space<semaphore_mem>>) attributes {dimension_semantics = [#tpu.dimension_semantics<core_parallel>, #tpu.dimension_semantics<subcore_parallel>], iteration_bounds = array<i64: 2, 16>, scalar_prefetch = 0 : i64, scratch_operands = 5 : i64, tpu.core_type = #tpu.core_type<sc_vector_subcore>, window_params = [{transform_indices = #map}, {transform_indices = #map1}, {transform_indices = #map1}, {transform_indices = #map2}, {transform_indices = #map2}]} {
    %mul3A = arith.constant 2 : i32
    %mul3A_0 = arith.muli %arg1, %mul3A : i32
    %add3A = arith.addi %mul3A_0, %arg0 : i32
    %mul3A_1 = arith.constant 624 : i32
    %mul3A_2 = arith.muli %arg1, %mul3A_1 : i32
    %broadcast_in_dim3A = arith.constant 0.000000e+00 : f32
    %broadcast_in_dim3A_3 = vector.broadcast %broadcast_in_dim3A : f32 to vector<16xf32>
    %scan3A = arith.constant 0 : i32
    %scan3A_4 = arith.constant 0 : i32
    %scan3A_5 = arith.constant 128 : i32
    %scan3A_6 = arith.addi %scan3A_4, %scan3A_5 : i32
    %scan3A_7 = arith.constant 1 : i32
    scf.for %scan3A_77 = %scan3A_4 to %scan3A_6 step %scan3A_7  : i32 {
      %swap3A = arith.index_cast %scan3A_77 : i32 to index
      %swap3A_78 = arith.constant 0 : index
      %swap3A_79 = tpu.vector_load %arg10[%swap3A, %swap3A_78] {strides = array<i32>} : memref<128x128xf32, #tpu.memory_space<vmem>>, vector<1x16xf32>,
      %swap3A_80 = vector.shape_cast %swap3A_79 : vector<1x16xf32> to vector<16xf32>
      %swap3A_81 = vector.shape_cast %broadcast_in_dim3A_3 : vector<16xf32> to vector<1x16xf32>
      tpu.vector_store %arg10[%swap3A, %swap3A_78], %swap3A_81 {strides = array<i32>} : memref<128x128xf32, #tpu.memory_space<vmem>>, vector<1x16xf32>,
      %swap3A_82 = arith.index_cast %scan3A_77 : i32 to index
      %swap3A_83 = arith.constant 16 : index
      %swap3A_84 = tpu.vector_load %arg10[%swap3A_82, %swap3A_83] {strides = array<i32>} : memref<128x128xf32, #tpu.memory_space<vmem>>, vector<1x16xf32>,
      %swap3A_85 = vector.shape_cast %swap3A_84 : vector<1x16xf32> to vector<16xf32>
      %swap3A_86 = vector.shape_cast %broadcast_in_dim3A_3 : vector<16xf32> to vector<1x16xf32>
      tpu.vector_store %arg10[%swap3A_82, %swap3A_83], %swap3A_86 {strides = array<i32>} : memref<128x128xf32, #tpu.memory_space<vmem>>, vector<1x16xf32>,
      %swap3A_87 = arith.index_cast %scan3A_77 : i32 to index
      %swap3A_88 = arith.constant 32 : index
      %swap3A_89 = tpu.vector_load %arg10[%swap3A_87, %swap3A_88] {strides = array<i32>} : memref<128x128xf32, #tpu.memory_space<vmem>>, vector<1x16xf32>,
      %swap3A_90 = vector.shape_cast %swap3A_89 : vector<1x16xf32> to vector<16xf32>
      %swap3A_91 = vector.shape_cast %broadcast_in_dim3A_3 : vector<16xf32> to vector<1x16xf32>
      tpu.vector_store %arg10[%swap3A_87, %swap3A_88], %swap3A_91 {strides = array<i32>} : memref<128x128xf32, #tpu.memory_space<vmem>>, vector<1x16xf32>,
      %swap3A_92 = arith.index_cast %scan3A_77 : i32 to index
      %swap3A_93 = arith.constant 48 : index
      %swap3A_94 = tpu.vector_load %arg10[%swap3A_92, %swap3A_93] {strides = array<i32>} : memref<128x128xf32, #tpu.memory_space<vmem>>, vector<1x16xf32>,
      %swap3A_95 = vector.shape_cast %swap3A_94 : vector<1x16xf32> to vector<16xf32>
      %swap3A_96 = vector.shape_cast %broadcast_in_dim3A_3 : vector<16xf32> to vector<1x16xf32>
      tpu.vector_store %arg10[%swap3A_92, %swap3A_93], %swap3A_96 {strides = array<i32>} : memref<128x128xf32, #tpu.memory_space<vmem>>, vector<1x16xf32>,
      %swap3A_97 = arith.index_cast %scan3A_77 : i32 to index
      %swap3A_98 = arith.constant 64 : index
      %swap3A_99 = tpu.vector_load %arg10[%swap3A_97, %swap3A_98] {strides = array<i32>} : memref<128x128xf32, #tpu.memory_space<vmem>>, vector<1x16xf32>,
      %swap3A_100 = vector.shape_cast %swap3A_99 : vector<1x16xf32> to vector<16xf32>
      %swap3A_101 = vector.shape_cast %broadcast_in_dim3A_3 : vector<16xf32> to vector<1x16xf32>
      tpu.vector_store %arg10[%swap3A_97, %swap3A_98], %swap3A_101 {strides = array<i32>} : memref<128x128xf32, #tpu.memory_space<vmem>>, vector<1x16xf32>,
      %swap3A_102 = arith.index_cast %scan3A_77 : i32 to index
      %swap3A_103 = arith.constant 80 : index
      %swap3A_104 = tpu.vector_load %arg10[%swap3A_102, %swap3A_103] {strides = array<i32>} : memref<128x128xf32, #tpu.memory_space<vmem>>, vector<1x16xf32>,
      %swap3A_105 = vector.shape_cast %swap3A_104 : vector<1x16xf32> to vector<16xf32>
      %swap3A_106 = vector.shape_cast %broadcast_in_dim3A_3 : vector<16xf32> to vector<1x16xf32>
      tpu.vector_store %arg10[%swap3A_102, %swap3A_103], %swap3A_106 {strides = array<i32>} : memref<128x128xf32, #tpu.memory_space<vmem>>, vector<1x16xf32>,
      %swap3A_107 = arith.index_cast %scan3A_77 : i32 to index
      %swap3A_108 = arith.constant 96 : index
      %swap3A_109 = tpu.vector_load %arg10[%swap3A_107, %swap3A_108] {strides = array<i32>} : memref<128x128xf32, #tpu.memory_space<vmem>>, vector<1x16xf32>,
      %swap3A_110 = vector.shape_cast %swap3A_109 : vector<1x16xf32> to vector<16xf32>
      %swap3A_111 = vector.shape_cast %broadcast_in_dim3A_3 : vector<16xf32> to vector<1x16xf32>
      tpu.vector_store %arg10[%swap3A_107, %swap3A_108], %swap3A_111 {strides = array<i32>} : memref<128x128xf32, #tpu.memory_space<vmem>>, vector<1x16xf32>,
      %swap3A_112 = arith.index_cast %scan3A_77 : i32 to index
      %swap3A_113 = arith.constant 112 : index
      %swap3A_114 = tpu.vector_load %arg10[%swap3A_112, %swap3A_113] {strides = array<i32>} : memref<128x128xf32, #tpu.memory_space<vmem>>, vector<1x16xf32>,
      %swap3A_115 = vector.shape_cast %swap3A_114 : vector<1x16xf32> to vector<16xf32>
      %swap3A_116 = vector.shape_cast %broadcast_in_dim3A_3 : vector<16xf32> to vector<1x16xf32>
      tpu.vector_store %arg10[%swap3A_112, %swap3A_113], %swap3A_116 {strides = array<i32>} : memref<128x128xf32, #tpu.memory_space<vmem>>, vector<1x16xf32>,
    }
    %scan3A_8 = arith.constant 128 : i32
    %add3A_9 = arith.constant 0 : i32
    %add3A_10 = arith.addi %mul3A_2, %add3A_9 : i32
    "tpu.region"() ({
      %run_scoped3A = tpu.sem_alloc : memref<!tpu.dma_semaphore, #tpu.memory_space<semaphore_mem>>
      %dma_start3A = arith.constant 0 : i32
      %dma_start3A_77 = tpu.memref_slice %arg7[%add3A_10, %dma_start3A] : memref<10000x128xf32, #tpu.memory_space<vmem_shared>> -> memref<128x128xf32, #tpu.memory_space<vmem_shared>>
      %dma_start3A_78 = arith.constant 0 : i32
      %dma_start3A_79 = tpu.memref_slice %arg7[%add3A_10, %dma_start3A_78] : memref<10000x128xf32, #tpu.memory_space<vmem_shared>> -> memref<128x128xf32, #tpu.memory_space<vmem_shared>>
      tpu.enqueue_dma source(%arg10 : memref<128x128xf32, #tpu.memory_space<vmem>>) target(%dma_start3A_79 : memref<128x128xf32, #tpu.memory_space<vmem_shared>>) target_semaphore(%run_scoped3A : memref<!tpu.dma_semaphore, #tpu.memory_space<semaphore_mem>>)
      %dma_wait3A = arith.constant 0 : i32
      %dma_wait3A_80 = tpu.memref_slice %arg7[%add3A_10, %dma_wait3A] : memref<10000x128xf32, #tpu.memory_space<vmem_shared>> -> memref<128x128xf32, #tpu.memory_space<vmem_shared>>
      %dma_wait3A_81 = arith.constant 0 : i32
      %dma_wait3A_82 = tpu.memref_slice %arg7[%add3A_10, %dma_wait3A_81] : memref<10000x128xf32, #tpu.memory_space<vmem_shared>> -> memref<128x128xf32, #tpu.memory_space<vmem_shared>>
      tpu.wait_dma2 semaphore(%run_scoped3A : memref<!tpu.dma_semaphore, #tpu.memory_space<semaphore_mem>>) src(%arg10 : memref<128x128xf32, #tpu.memory_space<vmem>>) dst(%dma_wait3A_82 : memref<128x128xf32, #tpu.memory_space<vmem_shared>>)
      tpu.yield
    }) : () -> ()
    %add3A_11 = arith.constant 128 : i32
    %add3A_12 = arith.addi %mul3A_2, %add3A_11 : i32
    "tpu.region"() ({
      %run_scoped3A = tpu.sem_alloc : memref<!tpu.dma_semaphore, #tpu.memory_space<semaphore_mem>>
      %dma_start3A = arith.constant 0 : i32
      %dma_start3A_77 = tpu.memref_slice %arg7[%add3A_12, %dma_start3A] : memref<10000x128xf32, #tpu.memory_space<vmem_shared>> -> memref<128x128xf32, #tpu.memory_space<vmem_shared>>
      %dma_start3A_78 = arith.constant 0 : i32
      %dma_start3A_79 = tpu.memref_slice %arg7[%add3A_12, %dma_start3A_78] : memref<10000x128xf32, #tpu.memory_space<vmem_shared>> -> memref<128x128xf32, #tpu.memory_space<vmem_shared>>
      tpu.enqueue_dma source(%arg10 : memref<128x128xf32, #tpu.memory_space<vmem>>) target(%dma_start3A_79 : memref<128x128xf32, #tpu.memory_space<vmem_shared>>) target_semaphore(%run_scoped3A : memref<!tpu.dma_semaphore, #tpu.memory_space<semaphore_mem>>)
      %dma_wait3A = arith.constant 0 : i32
      %dma_wait3A_80 = tpu.memref_slice %arg7[%add3A_12, %dma_wait3A] : memref<10000x128xf32, #tpu.memory_space<vmem_shared>> -> memref<128x128xf32, #tpu.memory_space<vmem_shared>>
      %dma_wait3A_81 = arith.constant 0 : i32
      %dma_wait3A_82 = tpu.memref_slice %arg7[%add3A_12, %dma_wait3A_81] : memref<10000x128xf32, #tpu.memory_space<vmem_shared>> -> memref<128x128xf32, #tpu.memory_space<vmem_shared>>
      tpu.wait_dma2 semaphore(%run_scoped3A : memref<!tpu.dma_semaphore, #tpu.memory_space<semaphore_mem>>) src(%arg10 : memref<128x128xf32, #tpu.memory_space<vmem>>) dst(%dma_wait3A_82 : memref<128x128xf32, #tpu.memory_space<vmem_shared>>)
      tpu.yield
    }) : () -> ()
    %add3A_13 = arith.constant 256 : i32
    %add3A_14 = arith.addi %mul3A_2, %add3A_13 : i32
    "tpu.region"() ({
      %run_scoped3A = tpu.sem_alloc : memref<!tpu.dma_semaphore, #tpu.memory_space<semaphore_mem>>
      %dma_start3A = arith.constant 0 : i32
      %dma_start3A_77 = tpu.memref_slice %arg7[%add3A_14, %dma_start3A] : memref<10000x128xf32, #tpu.memory_space<vmem_shared>> -> memref<128x128xf32, #tpu.memory_space<vmem_shared>>
      %dma_start3A_78 = arith.constant 0 : i32
      %dma_start3A_79 = tpu.memref_slice %arg7[%add3A_14, %dma_start3A_78] : memref<10000x128xf32, #tpu.memory_space<vmem_shared>> -> memref<128x128xf32, #tpu.memory_space<vmem_shared>>
      tpu.enqueue_dma source(%arg10 : memref<128x128xf32, #tpu.memory_space<vmem>>) target(%dma_start3A_79 : memref<128x128xf32, #tpu.memory_space<vmem_shared>>) target_semaphore(%run_scoped3A : memref<!tpu.dma_semaphore, #tpu.memory_space<semaphore_mem>>)
      %dma_wait3A = arith.constant 0 : i32
      %dma_wait3A_80 = tpu.memref_slice %arg7[%add3A_14, %dma_wait3A] : memref<10000x128xf32, #tpu.memory_space<vmem_shared>> -> memref<128x128xf32, #tpu.memory_space<vmem_shared>>
      %dma_wait3A_81 = arith.constant 0 : i32
      %dma_wait3A_82 = tpu.memref_slice %arg7[%add3A_14, %dma_wait3A_81] : memref<10000x128xf32, #tpu.memory_space<vmem_shared>> -> memref<128x128xf32, #tpu.memory_space<vmem_shared>>
      tpu.wait_dma2 semaphore(%run_scoped3A : memref<!tpu.dma_semaphore, #tpu.memory_space<semaphore_mem>>) src(%arg10 : memref<128x128xf32, #tpu.memory_space<vmem>>) dst(%dma_wait3A_82 : memref<128x128xf32, #tpu.memory_space<vmem_shared>>)
      tpu.yield
    }) : () -> ()
    %add3A_15 = arith.constant 384 : i32
    %add3A_16 = arith.addi %mul3A_2, %add3A_15 : i32
    "tpu.region"() ({
      %run_scoped3A = tpu.sem_alloc : memref<!tpu.dma_semaphore, #tpu.memory_space<semaphore_mem>>
      %dma_start3A = arith.constant 0 : i32
      %dma_start3A_77 = tpu.memref_slice %arg7[%add3A_16, %dma_start3A] : memref<10000x128xf32, #tpu.memory_space<vmem_shared>> -> memref<128x128xf32, #tpu.memory_space<vmem_shared>>
      %dma_start3A_78 = arith.constant 0 : i32
      %dma_start3A_79 = tpu.memref_slice %arg7[%add3A_16, %dma_start3A_78] : memref<10000x128xf32, #tpu.memory_space<vmem_shared>> -> memref<128x128xf32, #tpu.memory_space<vmem_shared>>
      tpu.enqueue_dma source(%arg10 : memref<128x128xf32, #tpu.memory_space<vmem>>) target(%dma_start3A_79 : memref<128x128xf32, #tpu.memory_space<vmem_shared>>) target_semaphore(%run_scoped3A : memref<!tpu.dma_semaphore, #tpu.memory_space<semaphore_mem>>)
      %dma_wait3A = arith.constant 0 : i32
      %dma_wait3A_80 = tpu.memref_slice %arg7[%add3A_16, %dma_wait3A] : memref<10000x128xf32, #tpu.memory_space<vmem_shared>> -> memref<128x128xf32, #tpu.memory_space<vmem_shared>>
      %dma_wait3A_81 = arith.constant 0 : i32
      %dma_wait3A_82 = tpu.memref_slice %arg7[%add3A_16, %dma_wait3A_81] : memref<10000x128xf32, #tpu.memory_space<vmem_shared>> -> memref<128x128xf32, #tpu.memory_space<vmem_shared>>
      tpu.wait_dma2 semaphore(%run_scoped3A : memref<!tpu.dma_semaphore, #tpu.memory_space<semaphore_mem>>) src(%arg10 : memref<128x128xf32, #tpu.memory_space<vmem>>) dst(%dma_wait3A_82 : memref<128x128xf32, #tpu.memory_space<vmem_shared>>)
      tpu.yield
    }) : () -> ()
    %add3A_17 = arith.constant 512 : i32
    %add3A_18 = arith.addi %mul3A_2, %add3A_17 : i32
    "tpu.region"() ({
      %run_scoped3A = tpu.sem_alloc : memref<!tpu.dma_semaphore, #tpu.memory_space<semaphore_mem>>
      %dma_start3A = arith.constant 0 : i32
      %dma_start3A_77 = arith.constant 0 : i32
      %dma_start3A_78 = tpu.memref_slice %arg10[%dma_start3A, %dma_start3A_77] : memref<128x128xf32, #tpu.memory_space<vmem>> -> memref<112x128xf32, #tpu.memory_space<vmem>>
      %dma_start3A_79 = arith.constant 0 : i32
      %dma_start3A_80 = tpu.memref_slice %arg7[%add3A_18, %dma_start3A_79] : memref<10000x128xf32, #tpu.memory_space<vmem_shared>> -> memref<112x128xf32, #tpu.memory_space<vmem_shared>>
      %dma_start3A_81 = arith.constant 0 : i32
      %dma_start3A_82 = tpu.memref_slice %arg7[%add3A_18, %dma_start3A_81] : memref<10000x128xf32, #tpu.memory_space<vmem_shared>> -> memref<112x128xf32, #tpu.memory_space<vmem_shared>>
      %dma_start3A_83 = arith.constant 0 : i32
      %dma_start3A_84 = arith.constant 0 : i32
      %dma_start3A_85 = tpu.memref_slice %arg10[%dma_start3A_83, %dma_start3A_84] : memref<128x128xf32, #tpu.memory_space<vmem>> -> memref<112x128xf32, #tpu.memory_space<vmem>>
      tpu.enqueue_dma source(%dma_start3A_85 : memref<112x128xf32, #tpu.memory_space<vmem>>) target(%dma_start3A_82 : memref<112x128xf32, #tpu.memory_space<vmem_shared>>) target_semaphore(%run_scoped3A : memref<!tpu.dma_semaphore, #tpu.memory_space<semaphore_mem>>)
      %dma_wait3A = arith.constant 0 : i32
      %dma_wait3A_86 = arith.constant 0 : i32
      %dma_wait3A_87 = tpu.memref_slice %arg10[%dma_wait3A, %dma_wait3A_86] : memref<128x128xf32, #tpu.memory_space<vmem>> -> memref<112x128xf32, #tpu.memory_space<vmem>>
      %dma_wait3A_88 = arith.constant 0 : i32
      %dma_wait3A_89 = tpu.memref_slice %arg7[%add3A_18, %dma_wait3A_88] : memref<10000x128xf32, #tpu.memory_space<vmem_shared>> -> memref<112x128xf32, #tpu.memory_space<vmem_shared>>
      %dma_wait3A_90 = arith.constant 0 : i32
      %dma_wait3A_91 = tpu.memref_slice %arg7[%add3A_18, %dma_wait3A_90] : memref<10000x128xf32, #tpu.memory_space<vmem_shared>> -> memref<112x128xf32, #tpu.memory_space<vmem_shared>>
      %dma_wait3A_92 = arith.constant 0 : i32
      %dma_wait3A_93 = arith.constant 0 : i32
      %dma_wait3A_94 = tpu.memref_slice %arg10[%dma_wait3A_92, %dma_wait3A_93] : memref<128x128xf32, #tpu.memory_space<vmem>> -> memref<112x128xf32, #tpu.memory_space<vmem>>
      tpu.wait_dma2 semaphore(%run_scoped3A : memref<!tpu.dma_semaphore, #tpu.memory_space<semaphore_mem>>) src(%dma_wait3A_94 : memref<112x128xf32, #tpu.memory_space<vmem>>) dst(%dma_wait3A_91 : memref<112x128xf32, #tpu.memory_space<vmem_shared>>)
      tpu.yield
    }) : () -> ()
    %eq3A = arith.constant 0 : i32
    %eq3A_19 = arith.cmpi eq, %arg1, %eq3A : i32
    %convert_element_type3A = arith.extui %eq3A_19 : i1 to i32
    %cond3A = arith.constant 0 : i32
    %cond3A_20 = arith.cmpi ne, %convert_element_type3A, %cond3A : i32
    scf.if %cond3A_20 {
      "tpu.region"() ({
        %run_scoped3A = tpu.sem_alloc : memref<!tpu.dma_semaphore, #tpu.memory_space<semaphore_mem>>
        %dma_start3A = arith.constant 0 : i32
        %dma_start3A_77 = arith.constant 0 : i32
        %dma_start3A_78 = tpu.memref_slice %arg10[%dma_start3A, %dma_start3A_77] : memref<128x128xf32, #tpu.memory_space<vmem>> -> memref<16x128xf32, #tpu.memory_space<vmem>>
        %dma_start3A_79 = arith.constant 9984 : i32
        %dma_start3A_80 = arith.constant 0 : i32
        %dma_start3A_81 = tpu.memref_slice %arg7[%dma_start3A_79, %dma_start3A_80] : memref<10000x128xf32, #tpu.memory_space<vmem_shared>> -> memref<16x128xf32, #tpu.memory_space<vmem_shared>>
        %dma_start3A_82 = arith.constant 9984 : i32
        %dma_start3A_83 = arith.constant 0 : i32
        %dma_start3A_84 = tpu.memref_slice %arg7[%dma_start3A_82, %dma_start3A_83] : memref<10000x128xf32, #tpu.memory_space<vmem_shared>> -> memref<16x128xf32, #tpu.memory_space<vmem_shared>>
        %dma_start3A_85 = arith.constant 0 : i32
        %dma_start3A_86 = arith.constant 0 : i32
        %dma_start3A_87 = tpu.memref_slice %arg10[%dma_start3A_85, %dma_start3A_86] : memref<128x128xf32, #tpu.memory_space<vmem>> -> memref<16x128xf32, #tpu.memory_space<vmem>>
        tpu.enqueue_dma source(%dma_start3A_87 : memref<16x128xf32, #tpu.memory_space<vmem>>) target(%dma_start3A_84 : memref<16x128xf32, #tpu.memory_space<vmem_shared>>) target_semaphore(%run_scoped3A : memref<!tpu.dma_semaphore, #tpu.memory_space<semaphore_mem>>)
        %dma_wait3A = arith.constant 0 : i32
        %dma_wait3A_88 = arith.constant 0 : i32
        %dma_wait3A_89 = tpu.memref_slice %arg10[%dma_wait3A, %dma_wait3A_88] : memref<128x128xf32, #tpu.memory_space<vmem>> -> memref<16x128xf32, #tpu.memory_space<vmem>>
        %dma_wait3A_90 = arith.constant 9984 : i32
        %dma_wait3A_91 = arith.constant 0 : i32
        %dma_wait3A_92 = tpu.memref_slice %arg7[%dma_wait3A_90, %dma_wait3A_91] : memref<10000x128xf32, #tpu.memory_space<vmem_shared>> -> memref<16x128xf32, #tpu.memory_space<vmem_shared>>
        %dma_wait3A_93 = arith.constant 9984 : i32
        %dma_wait3A_94 = arith.constant 0 : i32
        %dma_wait3A_95 = tpu.memref_slice %arg7[%dma_wait3A_93, %dma_wait3A_94] : memref<10000x128xf32, #tpu.memory_space<vmem_shared>> -> memref<16x128xf32, #tpu.memory_space<vmem_shared>>
        %dma_wait3A_96 = arith.constant 0 : i32
        %dma_wait3A_97 = arith.constant 0 : i32
        %dma_wait3A_98 = tpu.memref_slice %arg10[%dma_wait3A_96, %dma_wait3A_97] : memref<128x128xf32, #tpu.memory_space<vmem>> -> memref<16x128xf32, #tpu.memory_space<vmem>>
        tpu.wait_dma2 semaphore(%run_scoped3A : memref<!tpu.dma_semaphore, #tpu.memory_space<semaphore_mem>>) src(%dma_wait3A_98 : memref<16x128xf32, #tpu.memory_space<vmem>>) dst(%dma_wait3A_95 : memref<16x128xf32, #tpu.memory_space<vmem_shared>>)
        tpu.yield
      }) : () -> ()
    } else {
    }
    %broadcast_in_dim3A_21 = arith.constant 1.000000e+00 : f32
    %broadcast_in_dim3A_22 = vector.broadcast %broadcast_in_dim3A_21 : f32 to vector<16xf32>
    %scan3A_23 = arith.constant 0 : i32
    %scan3A_24 = arith.constant 0 : i32
    %scan3A_25 = arith.constant 128 : i32
    %scan3A_26 = arith.addi %scan3A_24, %scan3A_25 : i32
    %scan3A_27 = arith.constant 1 : i32
    scf.for %scan3A_77 = %scan3A_24 to %scan3A_26 step %scan3A_27  : i32 {
      %swap3A = arith.index_cast %scan3A_77 : i32 to index
      %swap3A_78 = arith.constant 0 : index
      %swap3A_79 = tpu.vector_load %arg10[%swap3A, %swap3A_78] {strides = array<i32>} : memref<128x128xf32, #tpu.memory_space<vmem>>, vector<1x16xf32>,
      %swap3A_80 = vector.shape_cast %swap3A_79 : vector<1x16xf32> to vector<16xf32>
      %swap3A_81 = vector.shape_cast %broadcast_in_dim3A_22 : vector<16xf32> to vector<1x16xf32>
      tpu.vector_store %arg10[%swap3A, %swap3A_78], %swap3A_81 {strides = array<i32>} : memref<128x128xf32, #tpu.memory_space<vmem>>, vector<1x16xf32>,
      %swap3A_82 = arith.index_cast %scan3A_77 : i32 to index
      %swap3A_83 = arith.constant 16 : index
      %swap3A_84 = tpu.vector_load %arg10[%swap3A_82, %swap3A_83] {strides = array<i32>} : memref<128x128xf32, #tpu.memory_space<vmem>>, vector<1x16xf32>,
      %swap3A_85 = vector.shape_cast %swap3A_84 : vector<1x16xf32> to vector<16xf32>
      %swap3A_86 = vector.shape_cast %broadcast_in_dim3A_22 : vector<16xf32> to vector<1x16xf32>
      tpu.vector_store %arg10[%swap3A_82, %swap3A_83], %swap3A_86 {strides = array<i32>} : memref<128x128xf32, #tpu.memory_space<vmem>>, vector<1x16xf32>,
      %swap3A_87 = arith.index_cast %scan3A_77 : i32 to index
      %swap3A_88 = arith.constant 32 : index
      %swap3A_89 = tpu.vector_load %arg10[%swap3A_87, %swap3A_88] {strides = array<i32>} : memref<128x128xf32, #tpu.memory_space<vmem>>, vector<1x16xf32>,
      %swap3A_90 = vector.shape_cast %swap3A_89 : vector<1x16xf32> to vector<16xf32>
      %swap3A_91 = vector.shape_cast %broadcast_in_dim3A_22 : vector<16xf32> to vector<1x16xf32>
      tpu.vector_store %arg10[%swap3A_87, %swap3A_88], %swap3A_91 {strides = array<i32>} : memref<128x128xf32, #tpu.memory_space<vmem>>, vector<1x16xf32>,
      %swap3A_92 = arith.index_cast %scan3A_77 : i32 to index
      %swap3A_93 = arith.constant 48 : index
      %swap3A_94 = tpu.vector_load %arg10[%swap3A_92, %swap3A_93] {strides = array<i32>} : memref<128x128xf32, #tpu.memory_space<vmem>>, vector<1x16xf32>,
      %swap3A_95 = vector.shape_cast %swap3A_94 : vector<1x16xf32> to vector<16xf32>
      %swap3A_96 = vector.shape_cast %broadcast_in_dim3A_22 : vector<16xf32> to vector<1x16xf32>
      tpu.vector_store %arg10[%swap3A_92, %swap3A_93], %swap3A_96 {strides = array<i32>} : memref<128x128xf32, #tpu.memory_space<vmem>>, vector<1x16xf32>,
      %swap3A_97 = arith.index_cast %scan3A_77 : i32 to index
      %swap3A_98 = arith.constant 64 : index
      %swap3A_99 = tpu.vector_load %arg10[%swap3A_97, %swap3A_98] {strides = array<i32>} : memref<128x128xf32, #tpu.memory_space<vmem>>, vector<1x16xf32>,
      %swap3A_100 = vector.shape_cast %swap3A_99 : vector<1x16xf32> to vector<16xf32>
      %swap3A_101 = vector.shape_cast %broadcast_in_dim3A_22 : vector<16xf32> to vector<1x16xf32>
      tpu.vector_store %arg10[%swap3A_97, %swap3A_98], %swap3A_101 {strides = array<i32>} : memref<128x128xf32, #tpu.memory_space<vmem>>, vector<1x16xf32>,
      %swap3A_102 = arith.index_cast %scan3A_77 : i32 to index
      %swap3A_103 = arith.constant 80 : index
      %swap3A_104 = tpu.vector_load %arg10[%swap3A_102, %swap3A_103] {strides = array<i32>} : memref<128x128xf32, #tpu.memory_space<vmem>>, vector<1x16xf32>,
      %swap3A_105 = vector.shape_cast %swap3A_104 : vector<1x16xf32> to vector<16xf32>
      %swap3A_106 = vector.shape_cast %broadcast_in_dim3A_22 : vector<16xf32> to vector<1x16xf32>
      tpu.vector_store %arg10[%swap3A_102, %swap3A_103], %swap3A_106 {strides = array<i32>} : memref<128x128xf32, #tpu.memory_space<vmem>>, vector<1x16xf32>,
      %swap3A_107 = arith.index_cast %scan3A_77 : i32 to index
      %swap3A_108 = arith.constant 96 : index
      %swap3A_109 = tpu.vector_load %arg10[%swap3A_107, %swap3A_108] {strides = array<i32>} : memref<128x128xf32, #tpu.memory_space<vmem>>, vector<1x16xf32>,
      %swap3A_110 = vector.shape_cast %swap3A_109 : vector<1x16xf32> to vector<16xf32>
      %swap3A_111 = vector.shape_cast %broadcast_in_dim3A_22 : vector<16xf32> to vector<1x16xf32>
      tpu.vector_store %arg10[%swap3A_107, %swap3A_108], %swap3A_111 {strides = array<i32>} : memref<128x128xf32, #tpu.memory_space<vmem>>, vector<1x16xf32>,
      %swap3A_112 = arith.index_cast %scan3A_77 : i32 to index
      %swap3A_113 = arith.constant 112 : index
      %swap3A_114 = tpu.vector_load %arg10[%swap3A_112, %swap3A_113] {strides = array<i32>} : memref<128x128xf32, #tpu.memory_space<vmem>>, vector<1x16xf32>,
      %swap3A_115 = vector.shape_cast %swap3A_114 : vector<1x16xf32> to vector<16xf32>
      %swap3A_116 = vector.shape_cast %broadcast_in_dim3A_22 : vector<16xf32> to vector<1x16xf32>
      tpu.vector_store %arg10[%swap3A_112, %swap3A_113], %swap3A_116 {strides = array<i32>} : memref<128x128xf32, #tpu.memory_space<vmem>>, vector<1x16xf32>,
    }
    %scan3A_28 = arith.constant 128 : i32
    %barrier3A = arith.constant 0 : index
    tpu.barrier barrier_id(%barrier3A)
    %scan3A_29 = arith.constant 0 : i32
    %scan3A_30 = arith.constant 0 : i32
    %scan3A_31 = arith.constant 40 : i32
    %scan3A_32 = arith.addi %scan3A_30, %scan3A_31 : i32
    %scan3A_33 = arith.constant 1 : i32
    scf.for %scan3A_77 = %scan3A_30 to %scan3A_32 step %scan3A_33  : i32 {
      %mul3A_78 = arith.constant 32 : i32
      %mul3A_79 = arith.muli %scan3A_77, %mul3A_78 : i32
      %add3A_80 = arith.addi %mul3A_79, %add3A : i32
      %lt3A = arith.constant 1250 : i32
      %lt3A_81 = arith.cmpi slt, %add3A_80, %lt3A : i32
      %convert_element_type3A_82 = arith.extui %lt3A_81 : i1 to i32
      %cond3A_83 = arith.constant 0 : i32
      %cond3A_84 = arith.cmpi ne, %convert_element_type3A_82, %cond3A_83 : i32
      scf.if %cond3A_84 {
        %mul3A_85 = arith.constant 128 : i32
        %mul3A_86 = arith.muli %add3A_80, %mul3A_85 : i32
        %run_scoped3A = arith.constant 0 : i32
        "tpu.region"() ({
          %run_scoped3A_88 = tpu.sem_alloc : memref<!tpu.dma_semaphore, #tpu.memory_space<semaphore_mem>>
          %dma_start3A = arith.constant 0 : i32
          %dma_start3A_89 = tpu.memref_slice %arg9[%run_scoped3A, %dma_start3A] : memref<1x128xi32, #tpu.memory_space<vmem>> -> memref<1x128xi32, #tpu.memory_space<vmem>>
          %dma_start3A_90 = tpu.memref_squeeze %dma_start3A_89 : memref<1x128xi32, #tpu.memory_space<vmem>> -> memref<128xi32, #tpu.memory_space<vmem>>
          %dma_start3A_91 = tpu.memref_slice %arg4[%mul3A_86] : memref<160000xi32, #tpu.memory_space<hbm>> -> memref<128xi32, #tpu.memory_space<hbm>>
          %dma_start3A_92 = arith.constant 0 : i32
          %dma_start3A_93 = tpu.memref_slice %arg9[%run_scoped3A, %dma_start3A_92] : memref<1x128xi32, #tpu.memory_space<vmem>> -> memref<1x128xi32, #tpu.memory_space<vmem>>
          %dma_start3A_94 = tpu.memref_squeeze %dma_start3A_93 : memref<1x128xi32, #tpu.memory_space<vmem>> -> memref<128xi32, #tpu.memory_space<vmem>>
          %dma_start3A_95 = tpu.memref_slice %arg4[%mul3A_86] : memref<160000xi32, #tpu.memory_space<hbm>> -> memref<128xi32, #tpu.memory_space<hbm>>
          tpu.enqueue_dma source(%dma_start3A_95 : memref<128xi32, #tpu.memory_space<hbm>>) target(%dma_start3A_94 : memref<128xi32, #tpu.memory_space<vmem>>) target_semaphore(%run_scoped3A_88 : memref<!tpu.dma_semaphore, #tpu.memory_space<semaphore_mem>>)
          %dma_wait3A = arith.constant 0 : i32
          %dma_wait3A_96 = tpu.memref_slice %arg9[%run_scoped3A, %dma_wait3A] : memref<1x128xi32, #tpu.memory_space<vmem>> -> memref<1x128xi32, #tpu.memory_space<vmem>>
          %dma_wait3A_97 = tpu.memref_squeeze %dma_wait3A_96 : memref<1x128xi32, #tpu.memory_space<vmem>> -> memref<128xi32, #tpu.memory_space<vmem>>
          %dma_wait3A_98 = tpu.memref_slice %arg4[%mul3A_86] : memref<160000xi32, #tpu.memory_space<hbm>> -> memref<128xi32, #tpu.memory_space<hbm>>
          %dma_wait3A_99 = arith.constant 0 : i32
          %dma_wait3A_100 = tpu.memref_slice %arg9[%run_scoped3A, %dma_wait3A_99] : memref<1x128xi32, #tpu.memory_space<vmem>> -> memref<1x128xi32, #tpu.memory_space<vmem>>
          %dma_wait3A_101 = tpu.memref_squeeze %dma_wait3A_100 : memref<1x128xi32, #tpu.memory_space<vmem>> -> memref<128xi32, #tpu.memory_space<vmem>>
          %dma_wait3A_102 = tpu.memref_slice %arg4[%mul3A_86] : memref<160000xi32, #tpu.memory_space<hbm>> -> memref<128xi32, #tpu.memory_space<hbm>>
          tpu.wait_dma2 semaphore(%run_scoped3A_88 : memref<!tpu.dma_semaphore, #tpu.memory_space<semaphore_mem>>) src(%dma_wait3A_102 : memref<128xi32, #tpu.memory_space<hbm>>) dst(%dma_wait3A_101 : memref<128xi32, #tpu.memory_space<vmem>>)
          tpu.yield
        }) : () -> ()
        %run_scoped3A_87 = arith.constant 0 : i32
        "tpu.region"() ({
          %run_scoped3A_88 = tpu.sem_alloc : memref<!tpu.dma_semaphore, #tpu.memory_space<semaphore_mem>>
          %dma_start3A = arith.constant 0 : i32
          %dma_start3A_89 = tpu.memref_slice %arg9[%run_scoped3A_87, %dma_start3A] : memref<1x128xi32, #tpu.memory_space<vmem>> -> memref<1x128xi32, #tpu.memory_space<vmem>>
          %dma_start3A_90 = tpu.memref_squeeze %dma_start3A_89 : memref<1x128xi32, #tpu.memory_space<vmem>> -> memref<128xi32, #tpu.memory_space<vmem>>
          %dma_start3A_91 = arith.constant 0 : i32
          %dma_start3A_92 = arith.constant 0 : i32
          %dma_start3A_93 = tpu.memref_slice %arg7[%dma_start3A_91, %dma_start3A_92] : memref<10000x128xf32, #tpu.memory_space<vmem_shared>> -> memref<10000x128xf32, #tpu.memory_space<vmem_shared>>
          tpu.enqueue_indirect_dma source(%arg10 : memref<128x128xf32, #tpu.memory_space<vmem>>) target(%dma_start3A_93 : memref<10000x128xf32, #tpu.memory_space<vmem_shared>>) offsets(%dma_start3A_90 : memref<128xi32, #tpu.memory_space<vmem>>) semaphore(%run_scoped3A_88 : memref<!tpu.dma_semaphore, #tpu.memory_space<semaphore_mem>>) {add = true}
          %dma_wait3A = arith.constant 0 : i32
          %dma_wait3A_94 = tpu.memref_slice %arg9[%run_scoped3A_87, %dma_wait3A] : memref<1x128xi32, #tpu.memory_space<vmem>> -> memref<1x128xi32, #tpu.memory_space<vmem>>
          %dma_wait3A_95 = tpu.memref_squeeze %dma_wait3A_94 : memref<1x128xi32, #tpu.memory_space<vmem>> -> memref<128xi32, #tpu.memory_space<vmem>>
          %dma_wait3A_96 = arith.constant 0 : i32
          %dma_wait3A_97 = arith.constant 0 : i32
          %dma_wait3A_98 = tpu.memref_slice %arg7[%dma_wait3A_96, %dma_wait3A_97] : memref<10000x128xf32, #tpu.memory_space<vmem_shared>> -> memref<10000x128xf32, #tpu.memory_space<vmem_shared>>
          tpu.wait_indirect_dma semaphore(%run_scoped3A_88 : memref<!tpu.dma_semaphore, #tpu.memory_space<semaphore_mem>>) src(%arg10 : memref<128x128xf32, #tpu.memory_space<vmem>>) dst(%dma_wait3A_98 : memref<10000x128xf32, #tpu.memory_space<vmem_shared>>)
          tpu.yield
        }) : () -> ()
      } else {
      }
    }
    %scan3A_34 = arith.constant 40 : i32
    %barrier3A_35 = arith.constant 0 : index
    tpu.barrier barrier_id(%barrier3A_35)
    "tpu.region"() ({
      %run_scoped3A = tpu.sem_alloc : memref<!tpu.dma_semaphore, #tpu.memory_space<semaphore_mem>>
      %dma_start3A = arith.constant 0 : i32
      %dma_start3A_77 = tpu.memref_slice %arg6[%arg0, %mul3A_2, %dma_start3A] : memref<2x10000x128xf32, #tpu.memory_space<hbm>> -> memref<1x624x128xf32, #tpu.memory_space<hbm>>
      %dma_start3A_78 = tpu.memref_squeeze %dma_start3A_77 : memref<1x624x128xf32, #tpu.memory_space<hbm>> -> memref<624x128xf32, #tpu.memory_space<hbm>>
      %dma_start3A_79 = arith.constant 0 : i32
      %dma_start3A_80 = tpu.memref_slice %arg7[%mul3A_2, %dma_start3A_79] : memref<10000x128xf32, #tpu.memory_space<vmem_shared>> -> memref<624x128xf32, #tpu.memory_space<vmem_shared>>
      tpu.enqueue_dma source(%dma_start3A_80 : memref<624x128xf32, #tpu.memory_space<vmem_shared>>) target(%dma_start3A_78 : memref<624x128xf32, #tpu.memory_space<hbm>>) target_semaphore(%run_scoped3A : memref<!tpu.dma_semaphore, #tpu.memory_space<semaphore_mem>>)
      %dma_wait3A = arith.constant 0 : i32
      %dma_wait3A_81 = tpu.memref_slice %arg6[%arg0, %mul3A_2, %dma_wait3A] : memref<2x10000x128xf32, #tpu.memory_space<hbm>> -> memref<1x624x128xf32, #tpu.memory_space<hbm>>
      %dma_wait3A_82 = tpu.memref_squeeze %dma_wait3A_81 : memref<1x624x128xf32, #tpu.memory_space<hbm>> -> memref<624x128xf32, #tpu.memory_space<hbm>>
      %dma_wait3A_83 = arith.constant 0 : i32
      %dma_wait3A_84 = tpu.memref_slice %arg7[%mul3A_2, %dma_wait3A_83] : memref<10000x128xf32, #tpu.memory_space<vmem_shared>> -> memref<624x128xf32, #tpu.memory_space<vmem_shared>>
      tpu.wait_dma2 semaphore(%run_scoped3A : memref<!tpu.dma_semaphore, #tpu.memory_space<semaphore_mem>>) src(%dma_wait3A_84 : memref<624x128xf32, #tpu.memory_space<vmem_shared>>) dst(%dma_wait3A_82 : memref<624x128xf32, #tpu.memory_space<hbm>>)
      tpu.yield
    }) : () -> ()
    %eq3A_36 = arith.constant 0 : i32
    %eq3A_37 = arith.cmpi eq, %arg1, %eq3A_36 : i32
    %convert_element_type3A_38 = arith.extui %eq3A_37 : i1 to i32
    %cond3A_39 = arith.constant 0 : i32
    %cond3A_40 = arith.cmpi ne, %convert_element_type3A_38, %cond3A_39 : i32
    scf.if %cond3A_40 {
      "tpu.region"() ({
        %run_scoped3A = tpu.sem_alloc : memref<!tpu.dma_semaphore, #tpu.memory_space<semaphore_mem>>
        %dma_start3A = arith.constant 9984 : i32
        %dma_start3A_77 = arith.constant 0 : i32
        %dma_start3A_78 = tpu.memref_slice %arg6[%arg0, %dma_start3A, %dma_start3A_77] : memref<2x10000x128xf32, #tpu.memory_space<hbm>> -> memref<1x16x128xf32, #tpu.memory_space<hbm>>
        %dma_start3A_79 = tpu.memref_squeeze %dma_start3A_78 : memref<1x16x128xf32, #tpu.memory_space<hbm>> -> memref<16x128xf32, #tpu.memory_space<hbm>>
        %dma_start3A_80 = arith.constant 9984 : i32
        %dma_start3A_81 = arith.constant 0 : i32
        %dma_start3A_82 = tpu.memref_slice %arg7[%dma_start3A_80, %dma_start3A_81] : memref<10000x128xf32, #tpu.memory_space<vmem_shared>> -> memref<16x128xf32, #tpu.memory_space<vmem_shared>>
        tpu.enqueue_dma source(%dma_start3A_82 : memref<16x128xf32, #tpu.memory_space<vmem_shared>>) target(%dma_start3A_79 : memref<16x128xf32, #tpu.memory_space<hbm>>) target_semaphore(%run_scoped3A : memref<!tpu.dma_semaphore, #tpu.memory_space<semaphore_mem>>)
        %dma_wait3A = arith.constant 9984 : i32
        %dma_wait3A_83 = arith.constant 0 : i32
        %dma_wait3A_84 = tpu.memref_slice %arg6[%arg0, %dma_wait3A, %dma_wait3A_83] : memref<2x10000x128xf32, #tpu.memory_space<hbm>> -> memref<1x16x128xf32, #tpu.memory_space<hbm>>
        %dma_wait3A_85 = tpu.memref_squeeze %dma_wait3A_84 : memref<1x16x128xf32, #tpu.memory_space<hbm>> -> memref<16x128xf32, #tpu.memory_space<hbm>>
        %dma_wait3A_86 = arith.constant 9984 : i32
        %dma_wait3A_87 = arith.constant 0 : i32
        %dma_wait3A_88 = tpu.memref_slice %arg7[%dma_wait3A_86, %dma_wait3A_87] : memref<10000x128xf32, #tpu.memory_space<vmem_shared>> -> memref<16x128xf32, #tpu.memory_space<vmem_shared>>
        tpu.wait_dma2 semaphore(%run_scoped3A : memref<!tpu.dma_semaphore, #tpu.memory_space<semaphore_mem>>) src(%dma_wait3A_88 : memref<16x128xf32, #tpu.memory_space<vmem_shared>>) dst(%dma_wait3A_85 : memref<16x128xf32, #tpu.memory_space<hbm>>)
        tpu.yield
      }) : () -> ()
    } else {
    }
    %broadcast_in_dim3A_41 = arith.constant 0.000000e+00 : f32
    %broadcast_in_dim3A_42 = vector.broadcast %broadcast_in_dim3A_41 : f32 to vector<16xf32>
    %scan3A_43 = arith.constant 0 : i32
    %scan3A_44 = arith.constant 0 : i32
    %scan3A_45 = arith.constant 128 : i32
    %scan3A_46 = arith.addi %scan3A_44, %scan3A_45 : i32
    %scan3A_47 = arith.constant 1 : i32
    scf.for %scan3A_77 = %scan3A_44 to %scan3A_46 step %scan3A_47  : i32 {
      %swap3A = arith.index_cast %scan3A_77 : i32 to index
      %swap3A_78 = arith.constant 0 : index
      %swap3A_79 = tpu.vector_load %arg10[%swap3A, %swap3A_78] {strides = array<i32>} : memref<128x128xf32, #tpu.memory_space<vmem>>, vector<1x16xf32>,
      %swap3A_80 = vector.shape_cast %swap3A_79 : vector<1x16xf32> to vector<16xf32>
      %swap3A_81 = vector.shape_cast %broadcast_in_dim3A_42 : vector<16xf32> to vector<1x16xf32>
      tpu.vector_store %arg10[%swap3A, %swap3A_78], %swap3A_81 {strides = array<i32>} : memref<128x128xf32, #tpu.memory_space<vmem>>, vector<1x16xf32>,
      %swap3A_82 = arith.index_cast %scan3A_77 : i32 to index
      %swap3A_83 = arith.constant 16 : index
      %swap3A_84 = tpu.vector_load %arg10[%swap3A_82, %swap3A_83] {strides = array<i32>} : memref<128x128xf32, #tpu.memory_space<vmem>>, vector<1x16xf32>,
      %swap3A_85 = vector.shape_cast %swap3A_84 : vector<1x16xf32> to vector<16xf32>
      %swap3A_86 = vector.shape_cast %broadcast_in_dim3A_42 : vector<16xf32> to vector<1x16xf32>
      tpu.vector_store %arg10[%swap3A_82, %swap3A_83], %swap3A_86 {strides = array<i32>} : memref<128x128xf32, #tpu.memory_space<vmem>>, vector<1x16xf32>,
      %swap3A_87 = arith.index_cast %scan3A_77 : i32 to index
      %swap3A_88 = arith.constant 32 : index
      %swap3A_89 = tpu.vector_load %arg10[%swap3A_87, %swap3A_88] {strides = array<i32>} : memref<128x128xf32, #tpu.memory_space<vmem>>, vector<1x16xf32>,
      %swap3A_90 = vector.shape_cast %swap3A_89 : vector<1x16xf32> to vector<16xf32>
      %swap3A_91 = vector.shape_cast %broadcast_in_dim3A_42 : vector<16xf32> to vector<1x16xf32>
      tpu.vector_store %arg10[%swap3A_87, %swap3A_88], %swap3A_91 {strides = array<i32>} : memref<128x128xf32, #tpu.memory_space<vmem>>, vector<1x16xf32>,
      %swap3A_92 = arith.index_cast %scan3A_77 : i32 to index
      %swap3A_93 = arith.constant 48 : index
      %swap3A_94 = tpu.vector_load %arg10[%swap3A_92, %swap3A_93] {strides = array<i32>} : memref<128x128xf32, #tpu.memory_space<vmem>>, vector<1x16xf32>,
      %swap3A_95 = vector.shape_cast %swap3A_94 : vector<1x16xf32> to vector<16xf32>
      %swap3A_96 = vector.shape_cast %broadcast_in_dim3A_42 : vector<16xf32> to vector<1x16xf32>
      tpu.vector_store %arg10[%swap3A_92, %swap3A_93], %swap3A_96 {strides = array<i32>} : memref<128x128xf32, #tpu.memory_space<vmem>>, vector<1x16xf32>,
      %swap3A_97 = arith.index_cast %scan3A_77 : i32 to index
      %swap3A_98 = arith.constant 64 : index
      %swap3A_99 = tpu.vector_load %arg10[%swap3A_97, %swap3A_98] {strides = array<i32>} : memref<128x128xf32, #tpu.memory_space<vmem>>, vector<1x16xf32>,
      %swap3A_100 = vector.shape_cast %swap3A_99 : vector<1x16xf32> to vector<16xf32>
      %swap3A_101 = vector.shape_cast %broadcast_in_dim3A_42 : vector<16xf32> to vector<1x16xf32>
      tpu.vector_store %arg10[%swap3A_97, %swap3A_98], %swap3A_101 {strides = array<i32>} : memref<128x128xf32, #tpu.memory_space<vmem>>, vector<1x16xf32>,
      %swap3A_102 = arith.index_cast %scan3A_77 : i32 to index
      %swap3A_103 = arith.constant 80 : index
      %swap3A_104 = tpu.vector_load %arg10[%swap3A_102, %swap3A_103] {strides = array<i32>} : memref<128x128xf32, #tpu.memory_space<vmem>>, vector<1x16xf32>,
      %swap3A_105 = vector.shape_cast %swap3A_104 : vector<1x16xf32> to vector<16xf32>
      %swap3A_106 = vector.shape_cast %broadcast_in_dim3A_42 : vector<16xf32> to vector<1x16xf32>
      tpu.vector_store %arg10[%swap3A_102, %swap3A_103], %swap3A_106 {strides = array<i32>} : memref<128x128xf32, #tpu.memory_space<vmem>>, vector<1x16xf32>,
      %swap3A_107 = arith.index_cast %scan3A_77 : i32 to index
      %swap3A_108 = arith.constant 96 : index
      %swap3A_109 = tpu.vector_load %arg10[%swap3A_107, %swap3A_108] {strides = array<i32>} : memref<128x128xf32, #tpu.memory_space<vmem>>, vector<1x16xf32>,
      %swap3A_110 = vector.shape_cast %swap3A_109 : vector<1x16xf32> to vector<16xf32>
      %swap3A_111 = vector.shape_cast %broadcast_in_dim3A_42 : vector<16xf32> to vector<1x16xf32>
      tpu.vector_store %arg10[%swap3A_107, %swap3A_108], %swap3A_111 {strides = array<i32>} : memref<128x128xf32, #tpu.memory_space<vmem>>, vector<1x16xf32>,
      %swap3A_112 = arith.index_cast %scan3A_77 : i32 to index
      %swap3A_113 = arith.constant 112 : index
      %swap3A_114 = tpu.vector_load %arg10[%swap3A_112, %swap3A_113] {strides = array<i32>} : memref<128x128xf32, #tpu.memory_space<vmem>>, vector<1x16xf32>,
      %swap3A_115 = vector.shape_cast %swap3A_114 : vector<1x16xf32> to vector<16xf32>
      %swap3A_116 = vector.shape_cast %broadcast_in_dim3A_42 : vector<16xf32> to vector<1x16xf32>
      tpu.vector_store %arg10[%swap3A_112, %swap3A_113], %swap3A_116 {strides = array<i32>} : memref<128x128xf32, #tpu.memory_space<vmem>>, vector<1x16xf32>,
    }
    %scan3A_48 = arith.constant 128 : i32
    %add3A_49 = arith.constant 0 : i32
    %add3A_50 = arith.addi %mul3A_2, %add3A_49 : i32
    "tpu.region"() ({
      %run_scoped3A = tpu.sem_alloc : memref<!tpu.dma_semaphore, #tpu.memory_space<semaphore_mem>>
      %dma_start3A = arith.constant 0 : i32
      %dma_start3A_77 = tpu.memref_slice %arg7[%add3A_50, %dma_start3A] : memref<10000x128xf32, #tpu.memory_space<vmem_shared>> -> memref<128x128xf32, #tpu.memory_space<vmem_shared>>
      %dma_start3A_78 = arith.constant 0 : i32
      %dma_start3A_79 = tpu.memref_slice %arg7[%add3A_50, %dma_start3A_78] : memref<10000x128xf32, #tpu.memory_space<vmem_shared>> -> memref<128x128xf32, #tpu.memory_space<vmem_shared>>
      tpu.enqueue_dma source(%arg10 : memref<128x128xf32, #tpu.memory_space<vmem>>) target(%dma_start3A_79 : memref<128x128xf32, #tpu.memory_space<vmem_shared>>) target_semaphore(%run_scoped3A : memref<!tpu.dma_semaphore, #tpu.memory_space<semaphore_mem>>)
      %dma_wait3A = arith.constant 0 : i32
      %dma_wait3A_80 = tpu.memref_slice %arg7[%add3A_50, %dma_wait3A] : memref<10000x128xf32, #tpu.memory_space<vmem_shared>> -> memref<128x128xf32, #tpu.memory_space<vmem_shared>>
      %dma_wait3A_81 = arith.constant 0 : i32
      %dma_wait3A_82 = tpu.memref_slice %arg7[%add3A_50, %dma_wait3A_81] : memref<10000x128xf32, #tpu.memory_space<vmem_shared>> -> memref<128x128xf32, #tpu.memory_space<vmem_shared>>
      tpu.wait_dma2 semaphore(%run_scoped3A : memref<!tpu.dma_semaphore, #tpu.memory_space<semaphore_mem>>) src(%arg10 : memref<128x128xf32, #tpu.memory_space<vmem>>) dst(%dma_wait3A_82 : memref<128x128xf32, #tpu.memory_space<vmem_shared>>)
      tpu.yield
    }) : () -> ()
    %add3A_51 = arith.constant 128 : i32
    %add3A_52 = arith.addi %mul3A_2, %add3A_51 : i32
    "tpu.region"() ({
      %run_scoped3A = tpu.sem_alloc : memref<!tpu.dma_semaphore, #tpu.memory_space<semaphore_mem>>
      %dma_start3A = arith.constant 0 : i32
      %dma_start3A_77 = tpu.memref_slice %arg7[%add3A_52, %dma_start3A] : memref<10000x128xf32, #tpu.memory_space<vmem_shared>> -> memref<128x128xf32, #tpu.memory_space<vmem_shared>>
      %dma_start3A_78 = arith.constant 0 : i32
      %dma_start3A_79 = tpu.memref_slice %arg7[%add3A_52, %dma_start3A_78] : memref<10000x128xf32, #tpu.memory_space<vmem_shared>> -> memref<128x128xf32, #tpu.memory_space<vmem_shared>>
      tpu.enqueue_dma source(%arg10 : memref<128x128xf32, #tpu.memory_space<vmem>>) target(%dma_start3A_79 : memref<128x128xf32, #tpu.memory_space<vmem_shared>>) target_semaphore(%run_scoped3A : memref<!tpu.dma_semaphore, #tpu.memory_space<semaphore_mem>>)
      %dma_wait3A = arith.constant 0 : i32
      %dma_wait3A_80 = tpu.memref_slice %arg7[%add3A_52, %dma_wait3A] : memref<10000x128xf32, #tpu.memory_space<vmem_shared>> -> memref<128x128xf32, #tpu.memory_space<vmem_shared>>
      %dma_wait3A_81 = arith.constant 0 : i32
      %dma_wait3A_82 = tpu.memref_slice %arg7[%add3A_52, %dma_wait3A_81] : memref<10000x128xf32, #tpu.memory_space<vmem_shared>> -> memref<128x128xf32, #tpu.memory_space<vmem_shared>>
      tpu.wait_dma2 semaphore(%run_scoped3A : memref<!tpu.dma_semaphore, #tpu.memory_space<semaphore_mem>>) src(%arg10 : memref<128x128xf32, #tpu.memory_space<vmem>>) dst(%dma_wait3A_82 : memref<128x128xf32, #tpu.memory_space<vmem_shared>>)
      tpu.yield
    }) : () -> ()
    %add3A_53 = arith.constant 256 : i32
    %add3A_54 = arith.addi %mul3A_2, %add3A_53 : i32
    "tpu.region"() ({
      %run_scoped3A = tpu.sem_alloc : memref<!tpu.dma_semaphore, #tpu.memory_space<semaphore_mem>>
      %dma_start3A = arith.constant 0 : i32
      %dma_start3A_77 = tpu.memref_slice %arg7[%add3A_54, %dma_start3A] : memref<10000x128xf32, #tpu.memory_space<vmem_shared>> -> memref<128x128xf32, #tpu.memory_space<vmem_shared>>
      %dma_start3A_78 = arith.constant 0 : i32
      %dma_start3A_79 = tpu.memref_slice %arg7[%add3A_54, %dma_start3A_78] : memref<10000x128xf32, #tpu.memory_space<vmem_shared>> -> memref<128x128xf32, #tpu.memory_space<vmem_shared>>
      tpu.enqueue_dma source(%arg10 : memref<128x128xf32, #tpu.memory_space<vmem>>) target(%dma_start3A_79 : memref<128x128xf32, #tpu.memory_space<vmem_shared>>) target_semaphore(%run_scoped3A : memref<!tpu.dma_semaphore, #tpu.memory_space<semaphore_mem>>)
      %dma_wait3A = arith.constant 0 : i32
      %dma_wait3A_80 = tpu.memref_slice %arg7[%add3A_54, %dma_wait3A] : memref<10000x128xf32, #tpu.memory_space<vmem_shared>> -> memref<128x128xf32, #tpu.memory_space<vmem_shared>>
      %dma_wait3A_81 = arith.constant 0 : i32
      %dma_wait3A_82 = tpu.memref_slice %arg7[%add3A_54, %dma_wait3A_81] : memref<10000x128xf32, #tpu.memory_space<vmem_shared>> -> memref<128x128xf32, #tpu.memory_space<vmem_shared>>
      tpu.wait_dma2 semaphore(%run_scoped3A : memref<!tpu.dma_semaphore, #tpu.memory_space<semaphore_mem>>) src(%arg10 : memref<128x128xf32, #tpu.memory_space<vmem>>) dst(%dma_wait3A_82 : memref<128x128xf32, #tpu.memory_space<vmem_shared>>)
      tpu.yield
    }) : () -> ()
    %add3A_55 = arith.constant 384 : i32
    %add3A_56 = arith.addi %mul3A_2, %add3A_55 : i32
    "tpu.region"() ({
      %run_scoped3A = tpu.sem_alloc : memref<!tpu.dma_semaphore, #tpu.memory_space<semaphore_mem>>
      %dma_start3A = arith.constant 0 : i32
      %dma_start3A_77 = tpu.memref_slice %arg7[%add3A_56, %dma_start3A] : memref<10000x128xf32, #tpu.memory_space<vmem_shared>> -> memref<128x128xf32, #tpu.memory_space<vmem_shared>>
      %dma_start3A_78 = arith.constant 0 : i32
      %dma_start3A_79 = tpu.memref_slice %arg7[%add3A_56, %dma_start3A_78] : memref<10000x128xf32, #tpu.memory_space<vmem_shared>> -> memref<128x128xf32, #tpu.memory_space<vmem_shared>>
      tpu.enqueue_dma source(%arg10 : memref<128x128xf32, #tpu.memory_space<vmem>>) target(%dma_start3A_79 : memref<128x128xf32, #tpu.memory_space<vmem_shared>>) target_semaphore(%run_scoped3A : memref<!tpu.dma_semaphore, #tpu.memory_space<semaphore_mem>>)
      %dma_wait3A = arith.constant 0 : i32
      %dma_wait3A_80 = tpu.memref_slice %arg7[%add3A_56, %dma_wait3A] : memref<10000x128xf32, #tpu.memory_space<vmem_shared>> -> memref<128x128xf32, #tpu.memory_space<vmem_shared>>
      %dma_wait3A_81 = arith.constant 0 : i32
      %dma_wait3A_82 = tpu.memref_slice %arg7[%add3A_56, %dma_wait3A_81] : memref<10000x128xf32, #tpu.memory_space<vmem_shared>> -> memref<128x128xf32, #tpu.memory_space<vmem_shared>>
      tpu.wait_dma2 semaphore(%run_scoped3A : memref<!tpu.dma_semaphore, #tpu.memory_space<semaphore_mem>>) src(%arg10 : memref<128x128xf32, #tpu.memory_space<vmem>>) dst(%dma_wait3A_82 : memref<128x128xf32, #tpu.memory_space<vmem_shared>>)
      tpu.yield
    }) : () -> ()
    %add3A_57 = arith.constant 512 : i32
    %add3A_58 = arith.addi %mul3A_2, %add3A_57 : i32
    "tpu.region"() ({
      %run_scoped3A = tpu.sem_alloc : memref<!tpu.dma_semaphore, #tpu.memory_space<semaphore_mem>>
      %dma_start3A = arith.constant 0 : i32
      %dma_start3A_77 = arith.constant 0 : i32
      %dma_start3A_78 = tpu.memref_slice %arg10[%dma_start3A, %dma_start3A_77] : memref<128x128xf32, #tpu.memory_space<vmem>> -> memref<112x128xf32, #tpu.memory_space<vmem>>
      %dma_start3A_79 = arith.constant 0 : i32
      %dma_start3A_80 = tpu.memref_slice %arg7[%add3A_58, %dma_start3A_79] : memref<10000x128xf32, #tpu.memory_space<vmem_shared>> -> memref<112x128xf32, #tpu.memory_space<vmem_shared>>
      %dma_start3A_81 = arith.constant 0 : i32
      %dma_start3A_82 = tpu.memref_slice %arg7[%add3A_58, %dma_start3A_81] : memref<10000x128xf32, #tpu.memory_space<vmem_shared>> -> memref<112x128xf32, #tpu.memory_space<vmem_shared>>
      %dma_start3A_83 = arith.constant 0 : i32
      %dma_start3A_84 = arith.constant 0 : i32
      %dma_start3A_85 = tpu.memref_slice %arg10[%dma_start3A_83, %dma_start3A_84] : memref<128x128xf32, #tpu.memory_space<vmem>> -> memref<112x128xf32, #tpu.memory_space<vmem>>
      tpu.enqueue_dma source(%dma_start3A_85 : memref<112x128xf32, #tpu.memory_space<vmem>>) target(%dma_start3A_82 : memref<112x128xf32, #tpu.memory_space<vmem_shared>>) target_semaphore(%run_scoped3A : memref<!tpu.dma_semaphore, #tpu.memory_space<semaphore_mem>>)
      %dma_wait3A = arith.constant 0 : i32
      %dma_wait3A_86 = arith.constant 0 : i32
      %dma_wait3A_87 = tpu.memref_slice %arg10[%dma_wait3A, %dma_wait3A_86] : memref<128x128xf32, #tpu.memory_space<vmem>> -> memref<112x128xf32, #tpu.memory_space<vmem>>
      %dma_wait3A_88 = arith.constant 0 : i32
      %dma_wait3A_89 = tpu.memref_slice %arg7[%add3A_58, %dma_wait3A_88] : memref<10000x128xf32, #tpu.memory_space<vmem_shared>> -> memref<112x128xf32, #tpu.memory_space<vmem_shared>>
      %dma_wait3A_90 = arith.constant 0 : i32
      %dma_wait3A_91 = tpu.memref_slice %arg7[%add3A_58, %dma_wait3A_90] : memref<10000x128xf32, #tpu.memory_space<vmem_shared>> -> memref<112x128xf32, #tpu.memory_space<vmem_shared>>
      %dma_wait3A_92 = arith.constant 0 : i32
      %dma_wait3A_93 = arith.constant 0 : i32
      %dma_wait3A_94 = tpu.memref_slice %arg10[%dma_wait3A_92, %dma_wait3A_93] : memref<128x128xf32, #tpu.memory_space<vmem>> -> memref<112x128xf32, #tpu.memory_space<vmem>>
      tpu.wait_dma2 semaphore(%run_scoped3A : memref<!tpu.dma_semaphore, #tpu.memory_space<semaphore_mem>>) src(%dma_wait3A_94 : memref<112x128xf32, #tpu.memory_space<vmem>>) dst(%dma_wait3A_91 : memref<112x128xf32, #tpu.memory_space<vmem_shared>>)
      tpu.yield
    }) : () -> ()
    %eq3A_59 = arith.constant 0 : i32
    %eq3A_60 = arith.cmpi eq, %arg1, %eq3A_59 : i32
    %convert_element_type3A_61 = arith.extui %eq3A_60 : i1 to i32
    %cond3A_62 = arith.constant 0 : i32
    %cond3A_63 = arith.cmpi ne, %convert_element_type3A_61, %cond3A_62 : i32
    scf.if %cond3A_63 {
      "tpu.region"() ({
        %run_scoped3A = tpu.sem_alloc : memref<!tpu.dma_semaphore, #tpu.memory_space<semaphore_mem>>
        %dma_start3A = arith.constant 0 : i32
        %dma_start3A_77 = arith.constant 0 : i32
        %dma_start3A_78 = tpu.memref_slice %arg10[%dma_start3A, %dma_start3A_77] : memref<128x128xf32, #tpu.memory_space<vmem>> -> memref<16x128xf32, #tpu.memory_space<vmem>>
        %dma_start3A_79 = arith.constant 9984 : i32
        %dma_start3A_80 = arith.constant 0 : i32
        %dma_start3A_81 = tpu.memref_slice %arg7[%dma_start3A_79, %dma_start3A_80] : memref<10000x128xf32, #tpu.memory_space<vmem_shared>> -> memref<16x128xf32, #tpu.memory_space<vmem_shared>>
        %dma_start3A_82 = arith.constant 9984 : i32
        %dma_start3A_83 = arith.constant 0 : i32
        %dma_start3A_84 = tpu.memref_slice %arg7[%dma_start3A_82, %dma_start3A_83] : memref<10000x128xf32, #tpu.memory_space<vmem_shared>> -> memref<16x128xf32, #tpu.memory_space<vmem_shared>>
        %dma_start3A_85 = arith.constant 0 : i32
        %dma_start3A_86 = arith.constant 0 : i32
        %dma_start3A_87 = tpu.memref_slice %arg10[%dma_start3A_85, %dma_start3A_86] : memref<128x128xf32, #tpu.memory_space<vmem>> -> memref<16x128xf32, #tpu.memory_space<vmem>>
        tpu.enqueue_dma source(%dma_start3A_87 : memref<16x128xf32, #tpu.memory_space<vmem>>) target(%dma_start3A_84 : memref<16x128xf32, #tpu.memory_space<vmem_shared>>) target_semaphore(%run_scoped3A : memref<!tpu.dma_semaphore, #tpu.memory_space<semaphore_mem>>)
        %dma_wait3A = arith.constant 0 : i32
        %dma_wait3A_88 = arith.constant 0 : i32
        %dma_wait3A_89 = tpu.memref_slice %arg10[%dma_wait3A, %dma_wait3A_88] : memref<128x128xf32, #tpu.memory_space<vmem>> -> memref<16x128xf32, #tpu.memory_space<vmem>>
        %dma_wait3A_90 = arith.constant 9984 : i32
        %dma_wait3A_91 = arith.constant 0 : i32
        %dma_wait3A_92 = tpu.memref_slice %arg7[%dma_wait3A_90, %dma_wait3A_91] : memref<10000x128xf32, #tpu.memory_space<vmem_shared>> -> memref<16x128xf32, #tpu.memory_space<vmem_shared>>
        %dma_wait3A_93 = arith.constant 9984 : i32
        %dma_wait3A_94 = arith.constant 0 : i32
        %dma_wait3A_95 = tpu.memref_slice %arg7[%dma_wait3A_93, %dma_wait3A_94] : memref<10000x128xf32, #tpu.memory_space<vmem_shared>> -> memref<16x128xf32, #tpu.memory_space<vmem_shared>>
        %dma_wait3A_96 = arith.constant 0 : i32
        %dma_wait3A_97 = arith.constant 0 : i32
        %dma_wait3A_98 = tpu.memref_slice %arg10[%dma_wait3A_96, %dma_wait3A_97] : memref<128x128xf32, #tpu.memory_space<vmem>> -> memref<16x128xf32, #tpu.memory_space<vmem>>
        tpu.wait_dma2 semaphore(%run_scoped3A : memref<!tpu.dma_semaphore, #tpu.memory_space<semaphore_mem>>) src(%dma_wait3A_98 : memref<16x128xf32, #tpu.memory_space<vmem>>) dst(%dma_wait3A_95 : memref<16x128xf32, #tpu.memory_space<vmem_shared>>)
        tpu.yield
      }) : () -> ()
    } else {
    }
    %barrier3A_64 = arith.constant 0 : index
    tpu.barrier barrier_id(%barrier3A_64)
    %scan3A_65 = arith.constant 0 : i32
    %scan3A_66 = arith.constant 0 : i32
    %scan3A_67 = arith.constant 79 : i32
    %scan3A_68 = arith.addi %scan3A_66, %scan3A_67 : i32
    %scan3A_69 = arith.constant 1 : i32
    scf.for %scan3A_77 = %scan3A_66 to %scan3A_68 step %scan3A_69  : i32 {
      %mul3A_78 = arith.constant 16 : i32
      %mul3A_79 = arith.muli %scan3A_77, %mul3A_78 : i32
      %add3A_80 = arith.addi %mul3A_79, %arg1 : i32
      %lt3A = arith.constant 1250 : i32
      %lt3A_81 = arith.cmpi slt, %add3A_80, %lt3A : i32
      %convert_element_type3A_82 = arith.extui %lt3A_81 : i1 to i32
      %cond3A_83 = arith.constant 0 : i32
      %cond3A_84 = arith.cmpi ne, %convert_element_type3A_82, %cond3A_83 : i32
      scf.if %cond3A_84 {
        %mul3A_85 = arith.constant 128 : i32
        %mul3A_86 = arith.muli %add3A_80, %mul3A_85 : i32
        %mul3A_87 = arith.constant 160000 : i32
        %mul3A_88 = arith.muli %arg0, %mul3A_87 : i32
        %add3A_89 = arith.addi %mul3A_88, %mul3A_86 : i32
        "tpu.region"() ({
          %run_scoped3A_95 = tpu.sem_alloc : memref<!tpu.dma_semaphore, #tpu.memory_space<semaphore_mem>>
          %dma_start3A_96 = tpu.memref_slice %arg3[%add3A_89] : memref<320000xi32, #tpu.memory_space<hbm>> -> memref<128xi32, #tpu.memory_space<hbm>>
          %dma_start3A_97 = tpu.memref_slice %arg3[%add3A_89] : memref<320000xi32, #tpu.memory_space<hbm>> -> memref<128xi32, #tpu.memory_space<hbm>>
          tpu.enqueue_dma source(%dma_start3A_97 : memref<128xi32, #tpu.memory_space<hbm>>) target(%arg8 : memref<128xi32, #tpu.memory_space<vmem>>) target_semaphore(%run_scoped3A_95 : memref<!tpu.dma_semaphore, #tpu.memory_space<semaphore_mem>>)
          %dma_wait3A_98 = tpu.memref_slice %arg3[%add3A_89] : memref<320000xi32, #tpu.memory_space<hbm>> -> memref<128xi32, #tpu.memory_space<hbm>>
          %dma_wait3A_99 = tpu.memref_slice %arg3[%add3A_89] : memref<320000xi32, #tpu.memory_space<hbm>> -> memref<128xi32, #tpu.memory_space<hbm>>
          tpu.wait_dma2 semaphore(%run_scoped3A_95 : memref<!tpu.dma_semaphore, #tpu.memory_space<semaphore_mem>>) src(%dma_wait3A_99 : memref<128xi32, #tpu.memory_space<hbm>>) dst(%arg8 : memref<128xi32, #tpu.memory_space<vmem>>)
          tpu.yield
        }) : () -> ()
        %run_scoped3A = arith.constant 0 : i32
        "tpu.region"() ({
          %run_scoped3A_95 = tpu.sem_alloc : memref<!tpu.dma_semaphore, #tpu.memory_space<semaphore_mem>>
          %dma_start3A_96 = arith.constant 0 : i32
          %dma_start3A_97 = tpu.memref_slice %arg9[%run_scoped3A, %dma_start3A_96] : memref<1x128xi32, #tpu.memory_space<vmem>> -> memref<1x128xi32, #tpu.memory_space<vmem>>
          %dma_start3A_98 = tpu.memref_squeeze %dma_start3A_97 : memref<1x128xi32, #tpu.memory_space<vmem>> -> memref<128xi32, #tpu.memory_space<vmem>>
          %dma_start3A_99 = tpu.memref_slice %arg4[%mul3A_86] : memref<160000xi32, #tpu.memory_space<hbm>> -> memref<128xi32, #tpu.memory_space<hbm>>
          %dma_start3A_100 = arith.constant 0 : i32
          %dma_start3A_101 = tpu.memref_slice %arg9[%run_scoped3A, %dma_start3A_100] : memref<1x128xi32, #tpu.memory_space<vmem>> -> memref<1x128xi32, #tpu.memory_space<vmem>>
          %dma_start3A_102 = tpu.memref_squeeze %dma_start3A_101 : memref<1x128xi32, #tpu.memory_space<vmem>> -> memref<128xi32, #tpu.memory_space<vmem>>
          %dma_start3A_103 = tpu.memref_slice %arg4[%mul3A_86] : memref<160000xi32, #tpu.memory_space<hbm>> -> memref<128xi32, #tpu.memory_space<hbm>>
          tpu.enqueue_dma source(%dma_start3A_103 : memref<128xi32, #tpu.memory_space<hbm>>) target(%dma_start3A_102 : memref<128xi32, #tpu.memory_space<vmem>>) target_semaphore(%run_scoped3A_95 : memref<!tpu.dma_semaphore, #tpu.memory_space<semaphore_mem>>)
          %dma_wait3A_104 = arith.constant 0 : i32
          %dma_wait3A_105 = tpu.memref_slice %arg9[%run_scoped3A, %dma_wait3A_104] : memref<1x128xi32, #tpu.memory_space<vmem>> -> memref<1x128xi32, #tpu.memory_space<vmem>>
          %dma_wait3A_106 = tpu.memref_squeeze %dma_wait3A_105 : memref<1x128xi32, #tpu.memory_space<vmem>> -> memref<128xi32, #tpu.memory_space<vmem>>
          %dma_wait3A_107 = tpu.memref_slice %arg4[%mul3A_86] : memref<160000xi32, #tpu.memory_space<hbm>> -> memref<128xi32, #tpu.memory_space<hbm>>
          %dma_wait3A_108 = arith.constant 0 : i32
          %dma_wait3A_109 = tpu.memref_slice %arg9[%run_scoped3A, %dma_wait3A_108] : memref<1x128xi32, #tpu.memory_space<vmem>> -> memref<1x128xi32, #tpu.memory_space<vmem>>
          %dma_wait3A_110 = tpu.memref_squeeze %dma_wait3A_109 : memref<1x128xi32, #tpu.memory_space<vmem>> -> memref<128xi32, #tpu.memory_space<vmem>>
          %dma_wait3A_111 = tpu.memref_slice %arg4[%mul3A_86] : memref<160000xi32, #tpu.memory_space<hbm>> -> memref<128xi32, #tpu.memory_space<hbm>>
          tpu.wait_dma2 semaphore(%run_scoped3A_95 : memref<!tpu.dma_semaphore, #tpu.memory_space<semaphore_mem>>) src(%dma_wait3A_111 : memref<128xi32, #tpu.memory_space<hbm>>) dst(%dma_wait3A_110 : memref<128xi32, #tpu.memory_space<vmem>>)
          tpu.yield
        }) : () -> ()
        %dma_start3A = arith.constant 0 : i32
        %dma_start3A_90 = arith.constant 0 : i32
        %dma_start3A_91 = tpu.memref_slice %arg2[%dma_start3A, %dma_start3A_90] : memref<20000x128xf32, #tpu.memory_space<hbm>> -> memref<20000x128xf32, #tpu.memory_space<hbm>>
        tpu.enqueue_indirect_dma source(%dma_start3A_91 : memref<20000x128xf32, #tpu.memory_space<hbm>>) target(%arg10 : memref<128x128xf32, #tpu.memory_space<vmem>>) offsets(%arg8 : memref<128xi32, #tpu.memory_space<vmem>>) semaphore(%arg11 : memref<!tpu.dma_semaphore, #tpu.memory_space<semaphore_mem>>)
        %dma_wait3A = arith.constant 0 : i32
        %dma_wait3A_92 = arith.constant 0 : i32
        %dma_wait3A_93 = tpu.memref_slice %arg2[%dma_wait3A, %dma_wait3A_92] : memref<20000x128xf32, #tpu.memory_space<hbm>> -> memref<20000x128xf32, #tpu.memory_space<hbm>>
        tpu.wait_indirect_dma semaphore(%arg11 : memref<!tpu.dma_semaphore, #tpu.memory_space<semaphore_mem>>) src(%dma_wait3A_93 : memref<20000x128xf32, #tpu.memory_space<hbm>>) dst(%arg10 : memref<128x128xf32, #tpu.memory_space<vmem>>)
        %run_scoped3A_94 = arith.constant 0 : i32
        "tpu.region"() ({
          %run_scoped3A_95 = tpu.sem_alloc : memref<!tpu.dma_semaphore, #tpu.memory_space<semaphore_mem>>
          %dma_start3A_96 = arith.constant 0 : i32
          %dma_start3A_97 = tpu.memref_slice %arg9[%run_scoped3A_94, %dma_start3A_96] : memref<1x128xi32, #tpu.memory_space<vmem>> -> memref<1x128xi32, #tpu.memory_space<vmem>>
          %dma_start3A_98 = tpu.memref_squeeze %dma_start3A_97 : memref<1x128xi32, #tpu.memory_space<vmem>> -> memref<128xi32, #tpu.memory_space<vmem>>
          %dma_start3A_99 = arith.constant 0 : i32
          %dma_start3A_100 = arith.constant 0 : i32
          %dma_start3A_101 = tpu.memref_slice %arg7[%dma_start3A_99, %dma_start3A_100] : memref<10000x128xf32, #tpu.memory_space<vmem_shared>> -> memref<10000x128xf32, #tpu.memory_space<vmem_shared>>
          tpu.enqueue_indirect_dma source(%arg10 : memref<128x128xf32, #tpu.memory_space<vmem>>) target(%dma_start3A_101 : memref<10000x128xf32, #tpu.memory_space<vmem_shared>>) offsets(%dma_start3A_98 : memref<128xi32, #tpu.memory_space<vmem>>) semaphore(%run_scoped3A_95 : memref<!tpu.dma_semaphore, #tpu.memory_space<semaphore_mem>>) {add = true}
          %dma_wait3A_102 = arith.constant 0 : i32
          %dma_wait3A_103 = tpu.memref_slice %arg9[%run_scoped3A_94, %dma_wait3A_102] : memref<1x128xi32, #tpu.memory_space<vmem>> -> memref<1x128xi32, #tpu.memory_space<vmem>>
          %dma_wait3A_104 = tpu.memref_squeeze %dma_wait3A_103 : memref<1x128xi32, #tpu.memory_space<vmem>> -> memref<128xi32, #tpu.memory_space<vmem>>
          %dma_wait3A_105 = arith.constant 0 : i32
          %dma_wait3A_106 = arith.constant 0 : i32
          %dma_wait3A_107 = tpu.memref_slice %arg7[%dma_wait3A_105, %dma_wait3A_106] : memref<10000x128xf32, #tpu.memory_space<vmem_shared>> -> memref<10000x128xf32, #tpu.memory_space<vmem_shared>>
          tpu.wait_indirect_dma semaphore(%run_scoped3A_95 : memref<!tpu.dma_semaphore, #tpu.memory_space<semaphore_mem>>) src(%arg10 : memref<128x128xf32, #tpu.memory_space<vmem>>) dst(%dma_wait3A_107 : memref<10000x128xf32, #tpu.memory_space<vmem_shared>>)
          tpu.yield
        }) : () -> ()
      } else {
      }
    }
    %scan3A_70 = arith.constant 79 : i32
    %barrier3A_71 = arith.constant 0 : index
    tpu.barrier barrier_id(%barrier3A_71)
    "tpu.region"() ({
      %run_scoped3A = tpu.sem_alloc : memref<!tpu.dma_semaphore, #tpu.memory_space<semaphore_mem>>
      %dma_start3A = arith.constant 0 : i32
      %dma_start3A_77 = tpu.memref_slice %arg5[%arg0, %mul3A_2, %dma_start3A] : memref<2x10000x128xf32, #tpu.memory_space<hbm>> -> memref<1x624x128xf32, #tpu.memory_space<hbm>>
      %dma_start3A_78 = tpu.memref_squeeze %dma_start3A_77 : memref<1x624x128xf32, #tpu.memory_space<hbm>> -> memref<624x128xf32, #tpu.memory_space<hbm>>
      %dma_start3A_79 = arith.constant 0 : i32
      %dma_start3A_80 = tpu.memref_slice %arg7[%mul3A_2, %dma_start3A_79] : memref<10000x128xf32, #tpu.memory_space<vmem_shared>> -> memref<624x128xf32, #tpu.memory_space<vmem_shared>>
      tpu.enqueue_dma source(%dma_start3A_80 : memref<624x128xf32, #tpu.memory_space<vmem_shared>>) target(%dma_start3A_78 : memref<624x128xf32, #tpu.memory_space<hbm>>) target_semaphore(%run_scoped3A : memref<!tpu.dma_semaphore, #tpu.memory_space<semaphore_mem>>)
      %dma_wait3A = arith.constant 0 : i32
      %dma_wait3A_81 = tpu.memref_slice %arg5[%arg0, %mul3A_2, %dma_wait3A] : memref<2x10000x128xf32, #tpu.memory_space<hbm>> -> memref<1x624x128xf32, #tpu.memory_space<hbm>>
      %dma_wait3A_82 = tpu.memref_squeeze %dma_wait3A_81 : memref<1x624x128xf32, #tpu.memory_space<hbm>> -> memref<624x128xf32, #tpu.memory_space<hbm>>
      %dma_wait3A_83 = arith.constant 0 : i32
      %dma_wait3A_84 = tpu.memref_slice %arg7[%mul3A_2, %dma_wait3A_83] : memref<10000x128xf32, #tpu.memory_space<vmem_shared>> -> memref<624x128xf32, #tpu.memory_space<vmem_shared>>
      tpu.wait_dma2 semaphore(%run_scoped3A : memref<!tpu.dma_semaphore, #tpu.memory_space<semaphore_mem>>) src(%dma_wait3A_84 : memref<624x128xf32, #tpu.memory_space<vmem_shared>>) dst(%dma_wait3A_82 : memref<624x128xf32, #tpu.memory_space<hbm>>)
      tpu.yield
    }) : () -> ()
    %eq3A_72 = arith.constant 0 : i32
    %eq3A_73 = arith.cmpi eq, %arg1, %eq3A_72 : i32
    %convert_element_type3A_74 = arith.extui %eq3A_73 : i1 to i32
    %cond3A_75 = arith.constant 0 : i32
    %cond3A_76 = arith.cmpi ne, %convert_element_type3A_74, %cond3A_75 : i32
    scf.if %cond3A_76 {
      "tpu.region"() ({
        %run_scoped3A = tpu.sem_alloc : memref<!tpu.dma_semaphore, #tpu.memory_space<semaphore_mem>>
        %dma_start3A = arith.constant 9984 : i32
        %dma_start3A_77 = arith.constant 0 : i32
        %dma_start3A_78 = tpu.memref_slice %arg5[%arg0, %dma_start3A, %dma_start3A_77] : memref<2x10000x128xf32, #tpu.memory_space<hbm>> -> memref<1x16x128xf32, #tpu.memory_space<hbm>>
        %dma_start3A_79 = tpu.memref_squeeze %dma_start3A_78 : memref<1x16x128xf32, #tpu.memory_space<hbm>> -> memref<16x128xf32, #tpu.memory_space<hbm>>
        %dma_start3A_80 = arith.constant 9984 : i32
        %dma_start3A_81 = arith.constant 0 : i32
        %dma_start3A_82 = tpu.memref_slice %arg7[%dma_start3A_80, %dma_start3A_81] : memref<10000x128xf32, #tpu.memory_space<vmem_shared>> -> memref<16x128xf32, #tpu.memory_space<vmem_shared>>
        tpu.enqueue_dma source(%dma_start3A_82 : memref<16x128xf32, #tpu.memory_space<vmem_shared>>) target(%dma_start3A_79 : memref<16x128xf32, #tpu.memory_space<hbm>>) target_semaphore(%run_scoped3A : memref<!tpu.dma_semaphore, #tpu.memory_space<semaphore_mem>>)
        %dma_wait3A = arith.constant 9984 : i32
        %dma_wait3A_83 = arith.constant 0 : i32
        %dma_wait3A_84 = tpu.memref_slice %arg5[%arg0, %dma_wait3A, %dma_wait3A_83] : memref<2x10000x128xf32, #tpu.memory_space<hbm>> -> memref<1x16x128xf32, #tpu.memory_space<hbm>>
        %dma_wait3A_85 = tpu.memref_squeeze %dma_wait3A_84 : memref<1x16x128xf32, #tpu.memory_space<hbm>> -> memref<16x128xf32, #tpu.memory_space<hbm>>
        %dma_wait3A_86 = arith.constant 9984 : i32
        %dma_wait3A_87 = arith.constant 0 : i32
        %dma_wait3A_88 = tpu.memref_slice %arg7[%dma_wait3A_86, %dma_wait3A_87] : memref<10000x128xf32, #tpu.memory_space<vmem_shared>> -> memref<16x128xf32, #tpu.memory_space<vmem_shared>>
        tpu.wait_dma2 semaphore(%run_scoped3A : memref<!tpu.dma_semaphore, #tpu.memory_space<semaphore_mem>>) src(%dma_wait3A_88 : memref<16x128xf32, #tpu.memory_space<vmem_shared>>) dst(%dma_wait3A_85 : memref<16x128xf32, #tpu.memory_space<hbm>>)
        tpu.yield
      }) : () -> ()
    } else {
    }
    return
  }
}

#map = affine_map<(d0, d1) -> (0, 0)>
#map1 = affine_map<(d0, d1) -> (0)>
#map2 = affine_map<(d0, d1) -> (0, 0, 0)>
module attributes {stable_mosaic.version = 14 : i64} {
  func.func @sc_agg2(%arg0: i32, %arg1: i32, %arg2: memref<10000x128xf32, #tpu.memory_space<hbm>>, %arg3: memref<160000xi32, #tpu.memory_space<hbm>>, %arg4: memref<160000xi32, #tpu.memory_space<hbm>>, %arg5: memref<2x10000x128xf32, #tpu.memory_space<hbm>>, %arg6: memref<10000x128xf32, #tpu.memory_space<vmem_shared>>, %arg7: memref<128xi32, #tpu.memory_space<vmem>>, %arg8: memref<1x128xi32, #tpu.memory_space<vmem>>, %arg9: memref<128x128xf32, #tpu.memory_space<vmem>>, %arg10: memref<!tpu.dma_semaphore, #tpu.memory_space<semaphore_mem>>) attributes {dimension_semantics = [#tpu.dimension_semantics<core_parallel>, #tpu.dimension_semantics<subcore_parallel>], iteration_bounds = array<i64: 2, 16>, scalar_prefetch = 0 : i64, scratch_operands = 5 : i64, tpu.core_type = #tpu.core_type<sc_vector_subcore>, window_params = [{transform_indices = #map}, {transform_indices = #map1}, {transform_indices = #map1}, {transform_indices = #map2}]} {
    %mul3A = arith.constant 2 : i32
    %mul3A_0 = arith.muli %arg1, %mul3A : i32
    %add3A = arith.addi %mul3A_0, %arg0 : i32
    %mul3A_1 = arith.constant 624 : i32
    %mul3A_2 = arith.muli %arg1, %mul3A_1 : i32
    %broadcast_in_dim3A = arith.constant 0.000000e+00 : f32
    %broadcast_in_dim3A_3 = vector.broadcast %broadcast_in_dim3A : f32 to vector<16xf32>
    %scan3A = arith.constant 0 : i32
    %scan3A_4 = arith.constant 0 : i32
    %scan3A_5 = arith.constant 128 : i32
    %scan3A_6 = arith.addi %scan3A_4, %scan3A_5 : i32
    %scan3A_7 = arith.constant 1 : i32
    scf.for %scan3A_33 = %scan3A_4 to %scan3A_6 step %scan3A_7  : i32 {
      %swap3A = arith.index_cast %scan3A_33 : i32 to index
      %swap3A_34 = arith.constant 0 : index
      %swap3A_35 = tpu.vector_load %arg9[%swap3A, %swap3A_34] {strides = array<i32>} : memref<128x128xf32, #tpu.memory_space<vmem>>, vector<1x16xf32>,
      %swap3A_36 = vector.shape_cast %swap3A_35 : vector<1x16xf32> to vector<16xf32>
      %swap3A_37 = vector.shape_cast %broadcast_in_dim3A_3 : vector<16xf32> to vector<1x16xf32>
      tpu.vector_store %arg9[%swap3A, %swap3A_34], %swap3A_37 {strides = array<i32>} : memref<128x128xf32, #tpu.memory_space<vmem>>, vector<1x16xf32>,
      %swap3A_38 = arith.index_cast %scan3A_33 : i32 to index
      %swap3A_39 = arith.constant 16 : index
      %swap3A_40 = tpu.vector_load %arg9[%swap3A_38, %swap3A_39] {strides = array<i32>} : memref<128x128xf32, #tpu.memory_space<vmem>>, vector<1x16xf32>,
      %swap3A_41 = vector.shape_cast %swap3A_40 : vector<1x16xf32> to vector<16xf32>
      %swap3A_42 = vector.shape_cast %broadcast_in_dim3A_3 : vector<16xf32> to vector<1x16xf32>
      tpu.vector_store %arg9[%swap3A_38, %swap3A_39], %swap3A_42 {strides = array<i32>} : memref<128x128xf32, #tpu.memory_space<vmem>>, vector<1x16xf32>,
      %swap3A_43 = arith.index_cast %scan3A_33 : i32 to index
      %swap3A_44 = arith.constant 32 : index
      %swap3A_45 = tpu.vector_load %arg9[%swap3A_43, %swap3A_44] {strides = array<i32>} : memref<128x128xf32, #tpu.memory_space<vmem>>, vector<1x16xf32>,
      %swap3A_46 = vector.shape_cast %swap3A_45 : vector<1x16xf32> to vector<16xf32>
      %swap3A_47 = vector.shape_cast %broadcast_in_dim3A_3 : vector<16xf32> to vector<1x16xf32>
      tpu.vector_store %arg9[%swap3A_43, %swap3A_44], %swap3A_47 {strides = array<i32>} : memref<128x128xf32, #tpu.memory_space<vmem>>, vector<1x16xf32>,
      %swap3A_48 = arith.index_cast %scan3A_33 : i32 to index
      %swap3A_49 = arith.constant 48 : index
      %swap3A_50 = tpu.vector_load %arg9[%swap3A_48, %swap3A_49] {strides = array<i32>} : memref<128x128xf32, #tpu.memory_space<vmem>>, vector<1x16xf32>,
      %swap3A_51 = vector.shape_cast %swap3A_50 : vector<1x16xf32> to vector<16xf32>
      %swap3A_52 = vector.shape_cast %broadcast_in_dim3A_3 : vector<16xf32> to vector<1x16xf32>
      tpu.vector_store %arg9[%swap3A_48, %swap3A_49], %swap3A_52 {strides = array<i32>} : memref<128x128xf32, #tpu.memory_space<vmem>>, vector<1x16xf32>,
      %swap3A_53 = arith.index_cast %scan3A_33 : i32 to index
      %swap3A_54 = arith.constant 64 : index
      %swap3A_55 = tpu.vector_load %arg9[%swap3A_53, %swap3A_54] {strides = array<i32>} : memref<128x128xf32, #tpu.memory_space<vmem>>, vector<1x16xf32>,
      %swap3A_56 = vector.shape_cast %swap3A_55 : vector<1x16xf32> to vector<16xf32>
      %swap3A_57 = vector.shape_cast %broadcast_in_dim3A_3 : vector<16xf32> to vector<1x16xf32>
      tpu.vector_store %arg9[%swap3A_53, %swap3A_54], %swap3A_57 {strides = array<i32>} : memref<128x128xf32, #tpu.memory_space<vmem>>, vector<1x16xf32>,
      %swap3A_58 = arith.index_cast %scan3A_33 : i32 to index
      %swap3A_59 = arith.constant 80 : index
      %swap3A_60 = tpu.vector_load %arg9[%swap3A_58, %swap3A_59] {strides = array<i32>} : memref<128x128xf32, #tpu.memory_space<vmem>>, vector<1x16xf32>,
      %swap3A_61 = vector.shape_cast %swap3A_60 : vector<1x16xf32> to vector<16xf32>
      %swap3A_62 = vector.shape_cast %broadcast_in_dim3A_3 : vector<16xf32> to vector<1x16xf32>
      tpu.vector_store %arg9[%swap3A_58, %swap3A_59], %swap3A_62 {strides = array<i32>} : memref<128x128xf32, #tpu.memory_space<vmem>>, vector<1x16xf32>,
      %swap3A_63 = arith.index_cast %scan3A_33 : i32 to index
      %swap3A_64 = arith.constant 96 : index
      %swap3A_65 = tpu.vector_load %arg9[%swap3A_63, %swap3A_64] {strides = array<i32>} : memref<128x128xf32, #tpu.memory_space<vmem>>, vector<1x16xf32>,
      %swap3A_66 = vector.shape_cast %swap3A_65 : vector<1x16xf32> to vector<16xf32>
      %swap3A_67 = vector.shape_cast %broadcast_in_dim3A_3 : vector<16xf32> to vector<1x16xf32>
      tpu.vector_store %arg9[%swap3A_63, %swap3A_64], %swap3A_67 {strides = array<i32>} : memref<128x128xf32, #tpu.memory_space<vmem>>, vector<1x16xf32>,
      %swap3A_68 = arith.index_cast %scan3A_33 : i32 to index
      %swap3A_69 = arith.constant 112 : index
      %swap3A_70 = tpu.vector_load %arg9[%swap3A_68, %swap3A_69] {strides = array<i32>} : memref<128x128xf32, #tpu.memory_space<vmem>>, vector<1x16xf32>,
      %swap3A_71 = vector.shape_cast %swap3A_70 : vector<1x16xf32> to vector<16xf32>
      %swap3A_72 = vector.shape_cast %broadcast_in_dim3A_3 : vector<16xf32> to vector<1x16xf32>
      tpu.vector_store %arg9[%swap3A_68, %swap3A_69], %swap3A_72 {strides = array<i32>} : memref<128x128xf32, #tpu.memory_space<vmem>>, vector<1x16xf32>,
    }
    %scan3A_8 = arith.constant 128 : i32
    %add3A_9 = arith.constant 0 : i32
    %add3A_10 = arith.addi %mul3A_2, %add3A_9 : i32
    "tpu.region"() ({
      %run_scoped3A = tpu.sem_alloc : memref<!tpu.dma_semaphore, #tpu.memory_space<semaphore_mem>>
      %dma_start3A = arith.constant 0 : i32
      %dma_start3A_33 = tpu.memref_slice %arg6[%add3A_10, %dma_start3A] : memref<10000x128xf32, #tpu.memory_space<vmem_shared>> -> memref<128x128xf32, #tpu.memory_space<vmem_shared>>
      %dma_start3A_34 = arith.constant 0 : i32
      %dma_start3A_35 = tpu.memref_slice %arg6[%add3A_10, %dma_start3A_34] : memref<10000x128xf32, #tpu.memory_space<vmem_shared>> -> memref<128x128xf32, #tpu.memory_space<vmem_shared>>
      tpu.enqueue_dma source(%arg9 : memref<128x128xf32, #tpu.memory_space<vmem>>) target(%dma_start3A_35 : memref<128x128xf32, #tpu.memory_space<vmem_shared>>) target_semaphore(%run_scoped3A : memref<!tpu.dma_semaphore, #tpu.memory_space<semaphore_mem>>)
      %dma_wait3A = arith.constant 0 : i32
      %dma_wait3A_36 = tpu.memref_slice %arg6[%add3A_10, %dma_wait3A] : memref<10000x128xf32, #tpu.memory_space<vmem_shared>> -> memref<128x128xf32, #tpu.memory_space<vmem_shared>>
      %dma_wait3A_37 = arith.constant 0 : i32
      %dma_wait3A_38 = tpu.memref_slice %arg6[%add3A_10, %dma_wait3A_37] : memref<10000x128xf32, #tpu.memory_space<vmem_shared>> -> memref<128x128xf32, #tpu.memory_space<vmem_shared>>
      tpu.wait_dma2 semaphore(%run_scoped3A : memref<!tpu.dma_semaphore, #tpu.memory_space<semaphore_mem>>) src(%arg9 : memref<128x128xf32, #tpu.memory_space<vmem>>) dst(%dma_wait3A_38 : memref<128x128xf32, #tpu.memory_space<vmem_shared>>)
      tpu.yield
    }) : () -> ()
    %add3A_11 = arith.constant 128 : i32
    %add3A_12 = arith.addi %mul3A_2, %add3A_11 : i32
    "tpu.region"() ({
      %run_scoped3A = tpu.sem_alloc : memref<!tpu.dma_semaphore, #tpu.memory_space<semaphore_mem>>
      %dma_start3A = arith.constant 0 : i32
      %dma_start3A_33 = tpu.memref_slice %arg6[%add3A_12, %dma_start3A] : memref<10000x128xf32, #tpu.memory_space<vmem_shared>> -> memref<128x128xf32, #tpu.memory_space<vmem_shared>>
      %dma_start3A_34 = arith.constant 0 : i32
      %dma_start3A_35 = tpu.memref_slice %arg6[%add3A_12, %dma_start3A_34] : memref<10000x128xf32, #tpu.memory_space<vmem_shared>> -> memref<128x128xf32, #tpu.memory_space<vmem_shared>>
      tpu.enqueue_dma source(%arg9 : memref<128x128xf32, #tpu.memory_space<vmem>>) target(%dma_start3A_35 : memref<128x128xf32, #tpu.memory_space<vmem_shared>>) target_semaphore(%run_scoped3A : memref<!tpu.dma_semaphore, #tpu.memory_space<semaphore_mem>>)
      %dma_wait3A = arith.constant 0 : i32
      %dma_wait3A_36 = tpu.memref_slice %arg6[%add3A_12, %dma_wait3A] : memref<10000x128xf32, #tpu.memory_space<vmem_shared>> -> memref<128x128xf32, #tpu.memory_space<vmem_shared>>
      %dma_wait3A_37 = arith.constant 0 : i32
      %dma_wait3A_38 = tpu.memref_slice %arg6[%add3A_12, %dma_wait3A_37] : memref<10000x128xf32, #tpu.memory_space<vmem_shared>> -> memref<128x128xf32, #tpu.memory_space<vmem_shared>>
      tpu.wait_dma2 semaphore(%run_scoped3A : memref<!tpu.dma_semaphore, #tpu.memory_space<semaphore_mem>>) src(%arg9 : memref<128x128xf32, #tpu.memory_space<vmem>>) dst(%dma_wait3A_38 : memref<128x128xf32, #tpu.memory_space<vmem_shared>>)
      tpu.yield
    }) : () -> ()
    %add3A_13 = arith.constant 256 : i32
    %add3A_14 = arith.addi %mul3A_2, %add3A_13 : i32
    "tpu.region"() ({
      %run_scoped3A = tpu.sem_alloc : memref<!tpu.dma_semaphore, #tpu.memory_space<semaphore_mem>>
      %dma_start3A = arith.constant 0 : i32
      %dma_start3A_33 = tpu.memref_slice %arg6[%add3A_14, %dma_start3A] : memref<10000x128xf32, #tpu.memory_space<vmem_shared>> -> memref<128x128xf32, #tpu.memory_space<vmem_shared>>
      %dma_start3A_34 = arith.constant 0 : i32
      %dma_start3A_35 = tpu.memref_slice %arg6[%add3A_14, %dma_start3A_34] : memref<10000x128xf32, #tpu.memory_space<vmem_shared>> -> memref<128x128xf32, #tpu.memory_space<vmem_shared>>
      tpu.enqueue_dma source(%arg9 : memref<128x128xf32, #tpu.memory_space<vmem>>) target(%dma_start3A_35 : memref<128x128xf32, #tpu.memory_space<vmem_shared>>) target_semaphore(%run_scoped3A : memref<!tpu.dma_semaphore, #tpu.memory_space<semaphore_mem>>)
      %dma_wait3A = arith.constant 0 : i32
      %dma_wait3A_36 = tpu.memref_slice %arg6[%add3A_14, %dma_wait3A] : memref<10000x128xf32, #tpu.memory_space<vmem_shared>> -> memref<128x128xf32, #tpu.memory_space<vmem_shared>>
      %dma_wait3A_37 = arith.constant 0 : i32
      %dma_wait3A_38 = tpu.memref_slice %arg6[%add3A_14, %dma_wait3A_37] : memref<10000x128xf32, #tpu.memory_space<vmem_shared>> -> memref<128x128xf32, #tpu.memory_space<vmem_shared>>
      tpu.wait_dma2 semaphore(%run_scoped3A : memref<!tpu.dma_semaphore, #tpu.memory_space<semaphore_mem>>) src(%arg9 : memref<128x128xf32, #tpu.memory_space<vmem>>) dst(%dma_wait3A_38 : memref<128x128xf32, #tpu.memory_space<vmem_shared>>)
      tpu.yield
    }) : () -> ()
    %add3A_15 = arith.constant 384 : i32
    %add3A_16 = arith.addi %mul3A_2, %add3A_15 : i32
    "tpu.region"() ({
      %run_scoped3A = tpu.sem_alloc : memref<!tpu.dma_semaphore, #tpu.memory_space<semaphore_mem>>
      %dma_start3A = arith.constant 0 : i32
      %dma_start3A_33 = tpu.memref_slice %arg6[%add3A_16, %dma_start3A] : memref<10000x128xf32, #tpu.memory_space<vmem_shared>> -> memref<128x128xf32, #tpu.memory_space<vmem_shared>>
      %dma_start3A_34 = arith.constant 0 : i32
      %dma_start3A_35 = tpu.memref_slice %arg6[%add3A_16, %dma_start3A_34] : memref<10000x128xf32, #tpu.memory_space<vmem_shared>> -> memref<128x128xf32, #tpu.memory_space<vmem_shared>>
      tpu.enqueue_dma source(%arg9 : memref<128x128xf32, #tpu.memory_space<vmem>>) target(%dma_start3A_35 : memref<128x128xf32, #tpu.memory_space<vmem_shared>>) target_semaphore(%run_scoped3A : memref<!tpu.dma_semaphore, #tpu.memory_space<semaphore_mem>>)
      %dma_wait3A = arith.constant 0 : i32
      %dma_wait3A_36 = tpu.memref_slice %arg6[%add3A_16, %dma_wait3A] : memref<10000x128xf32, #tpu.memory_space<vmem_shared>> -> memref<128x128xf32, #tpu.memory_space<vmem_shared>>
      %dma_wait3A_37 = arith.constant 0 : i32
      %dma_wait3A_38 = tpu.memref_slice %arg6[%add3A_16, %dma_wait3A_37] : memref<10000x128xf32, #tpu.memory_space<vmem_shared>> -> memref<128x128xf32, #tpu.memory_space<vmem_shared>>
      tpu.wait_dma2 semaphore(%run_scoped3A : memref<!tpu.dma_semaphore, #tpu.memory_space<semaphore_mem>>) src(%arg9 : memref<128x128xf32, #tpu.memory_space<vmem>>) dst(%dma_wait3A_38 : memref<128x128xf32, #tpu.memory_space<vmem_shared>>)
      tpu.yield
    }) : () -> ()
    %add3A_17 = arith.constant 512 : i32
    %add3A_18 = arith.addi %mul3A_2, %add3A_17 : i32
    "tpu.region"() ({
      %run_scoped3A = tpu.sem_alloc : memref<!tpu.dma_semaphore, #tpu.memory_space<semaphore_mem>>
      %dma_start3A = arith.constant 0 : i32
      %dma_start3A_33 = arith.constant 0 : i32
      %dma_start3A_34 = tpu.memref_slice %arg9[%dma_start3A, %dma_start3A_33] : memref<128x128xf32, #tpu.memory_space<vmem>> -> memref<112x128xf32, #tpu.memory_space<vmem>>
      %dma_start3A_35 = arith.constant 0 : i32
      %dma_start3A_36 = tpu.memref_slice %arg6[%add3A_18, %dma_start3A_35] : memref<10000x128xf32, #tpu.memory_space<vmem_shared>> -> memref<112x128xf32, #tpu.memory_space<vmem_shared>>
      %dma_start3A_37 = arith.constant 0 : i32
      %dma_start3A_38 = tpu.memref_slice %arg6[%add3A_18, %dma_start3A_37] : memref<10000x128xf32, #tpu.memory_space<vmem_shared>> -> memref<112x128xf32, #tpu.memory_space<vmem_shared>>
      %dma_start3A_39 = arith.constant 0 : i32
      %dma_start3A_40 = arith.constant 0 : i32
      %dma_start3A_41 = tpu.memref_slice %arg9[%dma_start3A_39, %dma_start3A_40] : memref<128x128xf32, #tpu.memory_space<vmem>> -> memref<112x128xf32, #tpu.memory_space<vmem>>
      tpu.enqueue_dma source(%dma_start3A_41 : memref<112x128xf32, #tpu.memory_space<vmem>>) target(%dma_start3A_38 : memref<112x128xf32, #tpu.memory_space<vmem_shared>>) target_semaphore(%run_scoped3A : memref<!tpu.dma_semaphore, #tpu.memory_space<semaphore_mem>>)
      %dma_wait3A = arith.constant 0 : i32
      %dma_wait3A_42 = arith.constant 0 : i32
      %dma_wait3A_43 = tpu.memref_slice %arg9[%dma_wait3A, %dma_wait3A_42] : memref<128x128xf32, #tpu.memory_space<vmem>> -> memref<112x128xf32, #tpu.memory_space<vmem>>
      %dma_wait3A_44 = arith.constant 0 : i32
      %dma_wait3A_45 = tpu.memref_slice %arg6[%add3A_18, %dma_wait3A_44] : memref<10000x128xf32, #tpu.memory_space<vmem_shared>> -> memref<112x128xf32, #tpu.memory_space<vmem_shared>>
      %dma_wait3A_46 = arith.constant 0 : i32
      %dma_wait3A_47 = tpu.memref_slice %arg6[%add3A_18, %dma_wait3A_46] : memref<10000x128xf32, #tpu.memory_space<vmem_shared>> -> memref<112x128xf32, #tpu.memory_space<vmem_shared>>
      %dma_wait3A_48 = arith.constant 0 : i32
      %dma_wait3A_49 = arith.constant 0 : i32
      %dma_wait3A_50 = tpu.memref_slice %arg9[%dma_wait3A_48, %dma_wait3A_49] : memref<128x128xf32, #tpu.memory_space<vmem>> -> memref<112x128xf32, #tpu.memory_space<vmem>>
      tpu.wait_dma2 semaphore(%run_scoped3A : memref<!tpu.dma_semaphore, #tpu.memory_space<semaphore_mem>>) src(%dma_wait3A_50 : memref<112x128xf32, #tpu.memory_space<vmem>>) dst(%dma_wait3A_47 : memref<112x128xf32, #tpu.memory_space<vmem_shared>>)
      tpu.yield
    }) : () -> ()
    %eq3A = arith.constant 0 : i32
    %eq3A_19 = arith.cmpi eq, %arg1, %eq3A : i32
    %convert_element_type3A = arith.extui %eq3A_19 : i1 to i32
    %cond3A = arith.constant 0 : i32
    %cond3A_20 = arith.cmpi ne, %convert_element_type3A, %cond3A : i32
    scf.if %cond3A_20 {
      "tpu.region"() ({
        %run_scoped3A = tpu.sem_alloc : memref<!tpu.dma_semaphore, #tpu.memory_space<semaphore_mem>>
        %dma_start3A = arith.constant 0 : i32
        %dma_start3A_33 = arith.constant 0 : i32
        %dma_start3A_34 = tpu.memref_slice %arg9[%dma_start3A, %dma_start3A_33] : memref<128x128xf32, #tpu.memory_space<vmem>> -> memref<16x128xf32, #tpu.memory_space<vmem>>
        %dma_start3A_35 = arith.constant 9984 : i32
        %dma_start3A_36 = arith.constant 0 : i32
        %dma_start3A_37 = tpu.memref_slice %arg6[%dma_start3A_35, %dma_start3A_36] : memref<10000x128xf32, #tpu.memory_space<vmem_shared>> -> memref<16x128xf32, #tpu.memory_space<vmem_shared>>
        %dma_start3A_38 = arith.constant 9984 : i32
        %dma_start3A_39 = arith.constant 0 : i32
        %dma_start3A_40 = tpu.memref_slice %arg6[%dma_start3A_38, %dma_start3A_39] : memref<10000x128xf32, #tpu.memory_space<vmem_shared>> -> memref<16x128xf32, #tpu.memory_space<vmem_shared>>
        %dma_start3A_41 = arith.constant 0 : i32
        %dma_start3A_42 = arith.constant 0 : i32
        %dma_start3A_43 = tpu.memref_slice %arg9[%dma_start3A_41, %dma_start3A_42] : memref<128x128xf32, #tpu.memory_space<vmem>> -> memref<16x128xf32, #tpu.memory_space<vmem>>
        tpu.enqueue_dma source(%dma_start3A_43 : memref<16x128xf32, #tpu.memory_space<vmem>>) target(%dma_start3A_40 : memref<16x128xf32, #tpu.memory_space<vmem_shared>>) target_semaphore(%run_scoped3A : memref<!tpu.dma_semaphore, #tpu.memory_space<semaphore_mem>>)
        %dma_wait3A = arith.constant 0 : i32
        %dma_wait3A_44 = arith.constant 0 : i32
        %dma_wait3A_45 = tpu.memref_slice %arg9[%dma_wait3A, %dma_wait3A_44] : memref<128x128xf32, #tpu.memory_space<vmem>> -> memref<16x128xf32, #tpu.memory_space<vmem>>
        %dma_wait3A_46 = arith.constant 9984 : i32
        %dma_wait3A_47 = arith.constant 0 : i32
        %dma_wait3A_48 = tpu.memref_slice %arg6[%dma_wait3A_46, %dma_wait3A_47] : memref<10000x128xf32, #tpu.memory_space<vmem_shared>> -> memref<16x128xf32, #tpu.memory_space<vmem_shared>>
        %dma_wait3A_49 = arith.constant 9984 : i32
        %dma_wait3A_50 = arith.constant 0 : i32
        %dma_wait3A_51 = tpu.memref_slice %arg6[%dma_wait3A_49, %dma_wait3A_50] : memref<10000x128xf32, #tpu.memory_space<vmem_shared>> -> memref<16x128xf32, #tpu.memory_space<vmem_shared>>
        %dma_wait3A_52 = arith.constant 0 : i32
        %dma_wait3A_53 = arith.constant 0 : i32
        %dma_wait3A_54 = tpu.memref_slice %arg9[%dma_wait3A_52, %dma_wait3A_53] : memref<128x128xf32, #tpu.memory_space<vmem>> -> memref<16x128xf32, #tpu.memory_space<vmem>>
        tpu.wait_dma2 semaphore(%run_scoped3A : memref<!tpu.dma_semaphore, #tpu.memory_space<semaphore_mem>>) src(%dma_wait3A_54 : memref<16x128xf32, #tpu.memory_space<vmem>>) dst(%dma_wait3A_51 : memref<16x128xf32, #tpu.memory_space<vmem_shared>>)
        tpu.yield
      }) : () -> ()
    } else {
    }
    %barrier3A = arith.constant 0 : index
    tpu.barrier barrier_id(%barrier3A)
    %scan3A_21 = arith.constant 0 : i32
    %scan3A_22 = arith.constant 0 : i32
    %scan3A_23 = arith.constant 40 : i32
    %scan3A_24 = arith.addi %scan3A_22, %scan3A_23 : i32
    %scan3A_25 = arith.constant 1 : i32
    scf.for %scan3A_33 = %scan3A_22 to %scan3A_24 step %scan3A_25  : i32 {
      %mul3A_34 = arith.constant 32 : i32
      %mul3A_35 = arith.muli %scan3A_33, %mul3A_34 : i32
      %add3A_36 = arith.addi %mul3A_35, %add3A : i32
      %lt3A = arith.constant 1250 : i32
      %lt3A_37 = arith.cmpi slt, %add3A_36, %lt3A : i32
      %convert_element_type3A_38 = arith.extui %lt3A_37 : i1 to i32
      %cond3A_39 = arith.constant 0 : i32
      %cond3A_40 = arith.cmpi ne, %convert_element_type3A_38, %cond3A_39 : i32
      scf.if %cond3A_40 {
        %mul3A_41 = arith.constant 128 : i32
        %mul3A_42 = arith.muli %add3A_36, %mul3A_41 : i32
        "tpu.region"() ({
          %run_scoped3A_48 = tpu.sem_alloc : memref<!tpu.dma_semaphore, #tpu.memory_space<semaphore_mem>>
          %dma_start3A_49 = tpu.memref_slice %arg3[%mul3A_42] : memref<160000xi32, #tpu.memory_space<hbm>> -> memref<128xi32, #tpu.memory_space<hbm>>
          %dma_start3A_50 = tpu.memref_slice %arg3[%mul3A_42] : memref<160000xi32, #tpu.memory_space<hbm>> -> memref<128xi32, #tpu.memory_space<hbm>>
          tpu.enqueue_dma source(%dma_start3A_50 : memref<128xi32, #tpu.memory_space<hbm>>) target(%arg7 : memref<128xi32, #tpu.memory_space<vmem>>) target_semaphore(%run_scoped3A_48 : memref<!tpu.dma_semaphore, #tpu.memory_space<semaphore_mem>>)
          %dma_wait3A_51 = tpu.memref_slice %arg3[%mul3A_42] : memref<160000xi32, #tpu.memory_space<hbm>> -> memref<128xi32, #tpu.memory_space<hbm>>
          %dma_wait3A_52 = tpu.memref_slice %arg3[%mul3A_42] : memref<160000xi32, #tpu.memory_space<hbm>> -> memref<128xi32, #tpu.memory_space<hbm>>
          tpu.wait_dma2 semaphore(%run_scoped3A_48 : memref<!tpu.dma_semaphore, #tpu.memory_space<semaphore_mem>>) src(%dma_wait3A_52 : memref<128xi32, #tpu.memory_space<hbm>>) dst(%arg7 : memref<128xi32, #tpu.memory_space<vmem>>)
          tpu.yield
        }) : () -> ()
        %run_scoped3A = arith.constant 0 : i32
        "tpu.region"() ({
          %run_scoped3A_48 = tpu.sem_alloc : memref<!tpu.dma_semaphore, #tpu.memory_space<semaphore_mem>>
          %dma_start3A_49 = arith.constant 0 : i32
          %dma_start3A_50 = tpu.memref_slice %arg8[%run_scoped3A, %dma_start3A_49] : memref<1x128xi32, #tpu.memory_space<vmem>> -> memref<1x128xi32, #tpu.memory_space<vmem>>
          %dma_start3A_51 = tpu.memref_squeeze %dma_start3A_50 : memref<1x128xi32, #tpu.memory_space<vmem>> -> memref<128xi32, #tpu.memory_space<vmem>>
          %dma_start3A_52 = tpu.memref_slice %arg4[%mul3A_42] : memref<160000xi32, #tpu.memory_space<hbm>> -> memref<128xi32, #tpu.memory_space<hbm>>
          %dma_start3A_53 = arith.constant 0 : i32
          %dma_start3A_54 = tpu.memref_slice %arg8[%run_scoped3A, %dma_start3A_53] : memref<1x128xi32, #tpu.memory_space<vmem>> -> memref<1x128xi32, #tpu.memory_space<vmem>>
          %dma_start3A_55 = tpu.memref_squeeze %dma_start3A_54 : memref<1x128xi32, #tpu.memory_space<vmem>> -> memref<128xi32, #tpu.memory_space<vmem>>
          %dma_start3A_56 = tpu.memref_slice %arg4[%mul3A_42] : memref<160000xi32, #tpu.memory_space<hbm>> -> memref<128xi32, #tpu.memory_space<hbm>>
          tpu.enqueue_dma source(%dma_start3A_56 : memref<128xi32, #tpu.memory_space<hbm>>) target(%dma_start3A_55 : memref<128xi32, #tpu.memory_space<vmem>>) target_semaphore(%run_scoped3A_48 : memref<!tpu.dma_semaphore, #tpu.memory_space<semaphore_mem>>)
          %dma_wait3A_57 = arith.constant 0 : i32
          %dma_wait3A_58 = tpu.memref_slice %arg8[%run_scoped3A, %dma_wait3A_57] : memref<1x128xi32, #tpu.memory_space<vmem>> -> memref<1x128xi32, #tpu.memory_space<vmem>>
          %dma_wait3A_59 = tpu.memref_squeeze %dma_wait3A_58 : memref<1x128xi32, #tpu.memory_space<vmem>> -> memref<128xi32, #tpu.memory_space<vmem>>
          %dma_wait3A_60 = tpu.memref_slice %arg4[%mul3A_42] : memref<160000xi32, #tpu.memory_space<hbm>> -> memref<128xi32, #tpu.memory_space<hbm>>
          %dma_wait3A_61 = arith.constant 0 : i32
          %dma_wait3A_62 = tpu.memref_slice %arg8[%run_scoped3A, %dma_wait3A_61] : memref<1x128xi32, #tpu.memory_space<vmem>> -> memref<1x128xi32, #tpu.memory_space<vmem>>
          %dma_wait3A_63 = tpu.memref_squeeze %dma_wait3A_62 : memref<1x128xi32, #tpu.memory_space<vmem>> -> memref<128xi32, #tpu.memory_space<vmem>>
          %dma_wait3A_64 = tpu.memref_slice %arg4[%mul3A_42] : memref<160000xi32, #tpu.memory_space<hbm>> -> memref<128xi32, #tpu.memory_space<hbm>>
          tpu.wait_dma2 semaphore(%run_scoped3A_48 : memref<!tpu.dma_semaphore, #tpu.memory_space<semaphore_mem>>) src(%dma_wait3A_64 : memref<128xi32, #tpu.memory_space<hbm>>) dst(%dma_wait3A_63 : memref<128xi32, #tpu.memory_space<vmem>>)
          tpu.yield
        }) : () -> ()
        %dma_start3A = arith.constant 0 : i32
        %dma_start3A_43 = arith.constant 0 : i32
        %dma_start3A_44 = tpu.memref_slice %arg2[%dma_start3A, %dma_start3A_43] : memref<10000x128xf32, #tpu.memory_space<hbm>> -> memref<10000x128xf32, #tpu.memory_space<hbm>>
        tpu.enqueue_indirect_dma source(%dma_start3A_44 : memref<10000x128xf32, #tpu.memory_space<hbm>>) target(%arg9 : memref<128x128xf32, #tpu.memory_space<vmem>>) offsets(%arg7 : memref<128xi32, #tpu.memory_space<vmem>>) semaphore(%arg10 : memref<!tpu.dma_semaphore, #tpu.memory_space<semaphore_mem>>)
        %dma_wait3A = arith.constant 0 : i32
        %dma_wait3A_45 = arith.constant 0 : i32
        %dma_wait3A_46 = tpu.memref_slice %arg2[%dma_wait3A, %dma_wait3A_45] : memref<10000x128xf32, #tpu.memory_space<hbm>> -> memref<10000x128xf32, #tpu.memory_space<hbm>>
        tpu.wait_indirect_dma semaphore(%arg10 : memref<!tpu.dma_semaphore, #tpu.memory_space<semaphore_mem>>) src(%dma_wait3A_46 : memref<10000x128xf32, #tpu.memory_space<hbm>>) dst(%arg9 : memref<128x128xf32, #tpu.memory_space<vmem>>)
        %run_scoped3A_47 = arith.constant 0 : i32
        "tpu.region"() ({
          %run_scoped3A_48 = tpu.sem_alloc : memref<!tpu.dma_semaphore, #tpu.memory_space<semaphore_mem>>
          %dma_start3A_49 = arith.constant 0 : i32
          %dma_start3A_50 = tpu.memref_slice %arg8[%run_scoped3A_47, %dma_start3A_49] : memref<1x128xi32, #tpu.memory_space<vmem>> -> memref<1x128xi32, #tpu.memory_space<vmem>>
          %dma_start3A_51 = tpu.memref_squeeze %dma_start3A_50 : memref<1x128xi32, #tpu.memory_space<vmem>> -> memref<128xi32, #tpu.memory_space<vmem>>
          %dma_start3A_52 = arith.constant 0 : i32
          %dma_start3A_53 = arith.constant 0 : i32
          %dma_start3A_54 = tpu.memref_slice %arg6[%dma_start3A_52, %dma_start3A_53] : memref<10000x128xf32, #tpu.memory_space<vmem_shared>> -> memref<10000x128xf32, #tpu.memory_space<vmem_shared>>
          tpu.enqueue_indirect_dma source(%arg9 : memref<128x128xf32, #tpu.memory_space<vmem>>) target(%dma_start3A_54 : memref<10000x128xf32, #tpu.memory_space<vmem_shared>>) offsets(%dma_start3A_51 : memref<128xi32, #tpu.memory_space<vmem>>) semaphore(%run_scoped3A_48 : memref<!tpu.dma_semaphore, #tpu.memory_space<semaphore_mem>>) {add = true}
          %dma_wait3A_55 = arith.constant 0 : i32
          %dma_wait3A_56 = tpu.memref_slice %arg8[%run_scoped3A_47, %dma_wait3A_55] : memref<1x128xi32, #tpu.memory_space<vmem>> -> memref<1x128xi32, #tpu.memory_space<vmem>>
          %dma_wait3A_57 = tpu.memref_squeeze %dma_wait3A_56 : memref<1x128xi32, #tpu.memory_space<vmem>> -> memref<128xi32, #tpu.memory_space<vmem>>
          %dma_wait3A_58 = arith.constant 0 : i32
          %dma_wait3A_59 = arith.constant 0 : i32
          %dma_wait3A_60 = tpu.memref_slice %arg6[%dma_wait3A_58, %dma_wait3A_59] : memref<10000x128xf32, #tpu.memory_space<vmem_shared>> -> memref<10000x128xf32, #tpu.memory_space<vmem_shared>>
          tpu.wait_indirect_dma semaphore(%run_scoped3A_48 : memref<!tpu.dma_semaphore, #tpu.memory_space<semaphore_mem>>) src(%arg9 : memref<128x128xf32, #tpu.memory_space<vmem>>) dst(%dma_wait3A_60 : memref<10000x128xf32, #tpu.memory_space<vmem_shared>>)
          tpu.yield
        }) : () -> ()
      } else {
      }
    }
    %scan3A_26 = arith.constant 40 : i32
    %barrier3A_27 = arith.constant 0 : index
    tpu.barrier barrier_id(%barrier3A_27)
    "tpu.region"() ({
      %run_scoped3A = tpu.sem_alloc : memref<!tpu.dma_semaphore, #tpu.memory_space<semaphore_mem>>
      %dma_start3A = arith.constant 0 : i32
      %dma_start3A_33 = tpu.memref_slice %arg5[%arg0, %mul3A_2, %dma_start3A] : memref<2x10000x128xf32, #tpu.memory_space<hbm>> -> memref<1x624x128xf32, #tpu.memory_space<hbm>>
      %dma_start3A_34 = tpu.memref_squeeze %dma_start3A_33 : memref<1x624x128xf32, #tpu.memory_space<hbm>> -> memref<624x128xf32, #tpu.memory_space<hbm>>
      %dma_start3A_35 = arith.constant 0 : i32
      %dma_start3A_36 = tpu.memref_slice %arg6[%mul3A_2, %dma_start3A_35] : memref<10000x128xf32, #tpu.memory_space<vmem_shared>> -> memref<624x128xf32, #tpu.memory_space<vmem_shared>>
      tpu.enqueue_dma source(%dma_start3A_36 : memref<624x128xf32, #tpu.memory_space<vmem_shared>>) target(%dma_start3A_34 : memref<624x128xf32, #tpu.memory_space<hbm>>) target_semaphore(%run_scoped3A : memref<!tpu.dma_semaphore, #tpu.memory_space<semaphore_mem>>)
      %dma_wait3A = arith.constant 0 : i32
      %dma_wait3A_37 = tpu.memref_slice %arg5[%arg0, %mul3A_2, %dma_wait3A] : memref<2x10000x128xf32, #tpu.memory_space<hbm>> -> memref<1x624x128xf32, #tpu.memory_space<hbm>>
      %dma_wait3A_38 = tpu.memref_squeeze %dma_wait3A_37 : memref<1x624x128xf32, #tpu.memory_space<hbm>> -> memref<624x128xf32, #tpu.memory_space<hbm>>
      %dma_wait3A_39 = arith.constant 0 : i32
      %dma_wait3A_40 = tpu.memref_slice %arg6[%mul3A_2, %dma_wait3A_39] : memref<10000x128xf32, #tpu.memory_space<vmem_shared>> -> memref<624x128xf32, #tpu.memory_space<vmem_shared>>
      tpu.wait_dma2 semaphore(%run_scoped3A : memref<!tpu.dma_semaphore, #tpu.memory_space<semaphore_mem>>) src(%dma_wait3A_40 : memref<624x128xf32, #tpu.memory_space<vmem_shared>>) dst(%dma_wait3A_38 : memref<624x128xf32, #tpu.memory_space<hbm>>)
      tpu.yield
    }) : () -> ()
    %eq3A_28 = arith.constant 0 : i32
    %eq3A_29 = arith.cmpi eq, %arg1, %eq3A_28 : i32
    %convert_element_type3A_30 = arith.extui %eq3A_29 : i1 to i32
    %cond3A_31 = arith.constant 0 : i32
    %cond3A_32 = arith.cmpi ne, %convert_element_type3A_30, %cond3A_31 : i32
    scf.if %cond3A_32 {
      "tpu.region"() ({
        %run_scoped3A = tpu.sem_alloc : memref<!tpu.dma_semaphore, #tpu.memory_space<semaphore_mem>>
        %dma_start3A = arith.constant 9984 : i32
        %dma_start3A_33 = arith.constant 0 : i32
        %dma_start3A_34 = tpu.memref_slice %arg5[%arg0, %dma_start3A, %dma_start3A_33] : memref<2x10000x128xf32, #tpu.memory_space<hbm>> -> memref<1x16x128xf32, #tpu.memory_space<hbm>>
        %dma_start3A_35 = tpu.memref_squeeze %dma_start3A_34 : memref<1x16x128xf32, #tpu.memory_space<hbm>> -> memref<16x128xf32, #tpu.memory_space<hbm>>
        %dma_start3A_36 = arith.constant 9984 : i32
        %dma_start3A_37 = arith.constant 0 : i32
        %dma_start3A_38 = tpu.memref_slice %arg6[%dma_start3A_36, %dma_start3A_37] : memref<10000x128xf32, #tpu.memory_space<vmem_shared>> -> memref<16x128xf32, #tpu.memory_space<vmem_shared>>
        tpu.enqueue_dma source(%dma_start3A_38 : memref<16x128xf32, #tpu.memory_space<vmem_shared>>) target(%dma_start3A_35 : memref<16x128xf32, #tpu.memory_space<hbm>>) target_semaphore(%run_scoped3A : memref<!tpu.dma_semaphore, #tpu.memory_space<semaphore_mem>>)
        %dma_wait3A = arith.constant 9984 : i32
        %dma_wait3A_39 = arith.constant 0 : i32
        %dma_wait3A_40 = tpu.memref_slice %arg5[%arg0, %dma_wait3A, %dma_wait3A_39] : memref<2x10000x128xf32, #tpu.memory_space<hbm>> -> memref<1x16x128xf32, #tpu.memory_space<hbm>>
        %dma_wait3A_41 = tpu.memref_squeeze %dma_wait3A_40 : memref<1x16x128xf32, #tpu.memory_space<hbm>> -> memref<16x128xf32, #tpu.memory_space<hbm>>
        %dma_wait3A_42 = arith.constant 9984 : i32
        %dma_wait3A_43 = arith.constant 0 : i32
        %dma_wait3A_44 = tpu.memref_slice %arg6[%dma_wait3A_42, %dma_wait3A_43] : memref<10000x128xf32, #tpu.memory_space<vmem_shared>> -> memref<16x128xf32, #tpu.memory_space<vmem_shared>>
        tpu.wait_dma2 semaphore(%run_scoped3A : memref<!tpu.dma_semaphore, #tpu.memory_space<semaphore_mem>>) src(%dma_wait3A_44 : memref<16x128xf32, #tpu.memory_space<vmem_shared>>) dst(%dma_wait3A_41 : memref<16x128xf32, #tpu.memory_space<hbm>>)
        tpu.yield
      }) : () -> ()
    } else {
    }
    return
  }
}

module attributes {stable_mosaic.version = 14 : i64} {
  func.func @_tc_layer1_body(%arg0: i32, %arg1: memref<1000x256xf32, #tpu.memory_space<vmem>>, %arg2: memref<2x1000x128xf32, #tpu.memory_space<vmem>>, %arg3: memref<2x1000x128xf32, #tpu.memory_space<vmem>>, %arg4: memref<512x256xf32, #tpu.memory_space<vmem>>, %arg5: memref<1x256xf32, #tpu.memory_space<vmem>>, %arg6: memref<256x128xf32, #tpu.memory_space<vmem>>, %arg7: memref<1000x256xf32, #tpu.memory_space<vmem>>, %arg8: memref<1000x128xf32, #tpu.memory_space<vmem>>) attributes {dimension_semantics = [#tpu.dimension_semantics<arbitrary>], iteration_bounds = array<i64: 10>, scalar_prefetch = 0 : i64, scratch_operands = 0 : i64, tpu.core_type = #tpu.core_type<tc>, window_params = [{transform_indices = @transform_0, window_bounds = array<i64: 1000, 256>}, {transform_indices = @transform_1, window_bounds = array<i64: 2, 1000, 128>}, {transform_indices = @transform_2, window_bounds = array<i64: 2, 1000, 128>}, {pipeline_mode = #tpu.pipeline_mode<synchronous>, transform_indices = @transform_3, window_bounds = array<i64: 512, 256>}, {pipeline_mode = #tpu.pipeline_mode<synchronous>, transform_indices = @transform_4, window_bounds = array<i64: 1, 256>}, {pipeline_mode = #tpu.pipeline_mode<synchronous>, transform_indices = @transform_5, window_bounds = array<i64: 256, 128>}, {transform_indices = @transform_6, window_bounds = array<i64: 1000, 256>}, {transform_indices = @transform_7, window_bounds = array<i64: 1000, 128>}]} {
    %get3A = arith.constant 0 : index
    %get3A_0 = arith.constant 0 : index
    %get3A_1 = arith.constant 0 : index
    %get3A_2 = vector.load %arg3[%get3A, %get3A_0, %get3A_1] : memref<2x1000x128xf32, #tpu.memory_space<vmem>>, vector<1x1000x1xf32>
    %get3A_3 = vector.shape_cast %get3A_2 : vector<1x1000x1xf32> to vector<1000x1xf32>
    %get3A_4 = arith.constant 1 : index
    %get3A_5 = arith.constant 0 : index
    %get3A_6 = arith.constant 0 : index
    %get3A_7 = vector.load %arg3[%get3A_4, %get3A_5, %get3A_6] : memref<2x1000x128xf32, #tpu.memory_space<vmem>>, vector<1x1000x1xf32>
    %get3A_8 = vector.shape_cast %get3A_7 : vector<1x1000x1xf32> to vector<1000x1xf32>
    %add3A = arith.addf %get3A_3, %get3A_8 : vector<1000x1xf32>
    %max3A = arith.constant 1.000000e+00 : f32
    %max3A_9 = vector.broadcast %max3A : f32 to vector<1000x1xf32>
    %max3A_10 = arith.maximumf %add3A, %max3A_9 : vector<1000x1xf32>
    %div3A = arith.constant 1.000000e+00 : f32
    %div3A_11 = vector.broadcast %div3A : f32 to vector<1000x1xf32>
    %div3A_12 = arith.divf %div3A_11, %max3A_10 : vector<1000x1xf32>
    %get3A_13 = arith.constant 0 : index
    %get3A_14 = arith.constant 0 : index
    %get3A_15 = arith.constant 0 : index
    %get3A_16 = vector.load %arg2[%get3A_13, %get3A_14, %get3A_15] : memref<2x1000x128xf32, #tpu.memory_space<vmem>>, vector<1x1000x128xf32>
    %get3A_17 = vector.shape_cast %get3A_16 : vector<1x1000x128xf32> to vector<1000x128xf32>
    %get3A_18 = arith.constant 1 : index
    %get3A_19 = arith.constant 0 : index
    %get3A_20 = arith.constant 0 : index
    %get3A_21 = vector.load %arg2[%get3A_18, %get3A_19, %get3A_20] : memref<2x1000x128xf32, #tpu.memory_space<vmem>>, vector<1x1000x128xf32>
    %get3A_22 = vector.shape_cast %get3A_21 : vector<1x1000x128xf32> to vector<1000x128xf32>
    %concatenate3A = tpu.concatenate %get3A_17, %get3A_22 in 1 : vector<1000x128xf32>, vector<1000x128xf32> -> vector<1000x256xf32>
    %mul3A = vector.broadcast %div3A_12 : vector<1000x1xf32> to vector<1000x256xf32>
    %mul3A_23 = arith.mulf %concatenate3A, %mul3A : vector<1000x256xf32>
    %get3A_24 = arith.constant 0 : index
    %get3A_25 = arith.constant 0 : index
    %get3A_26 = vector.load %arg1[%get3A_24, %get3A_25] : memref<1000x256xf32, #tpu.memory_space<vmem>>, vector<1000x256xf32>
    %concatenate3A_27 = tpu.concatenate %get3A_26, %mul3A_23 in 1 : vector<1000x256xf32>, vector<1000x256xf32> -> vector<1000x512xf32>
    %get3A_28 = arith.constant 0 : index
    %get3A_29 = arith.constant 0 : index
    %get3A_30 = vector.load %arg4[%get3A_28, %get3A_29] : memref<512x256xf32, #tpu.memory_space<vmem>>, vector<512x256xf32>
    %dot_general3A = arith.constant dense<0.000000e+00> : vector<1000x256xf32>
    %dot_general3A_31 = tpu.matmul %concatenate3A_27, %get3A_30, %dot_general3A {dimension_numbers = #tpu.dot_dimension_numbers<[1], [0], [0], [1], [0, 0, 1, 1], [], []>, transpose_lhs_hint = false} : vector<1000x512xf32>, vector<512x256xf32>, vector<1000x256xf32> -> vector<1000x256xf32>
    %get3A_32 = arith.constant 0 : index
    %get3A_33 = arith.constant 0 : index
    %get3A_34 = vector.load %arg5[%get3A_32, %get3A_33] : memref<1x256xf32, #tpu.memory_space<vmem>>, vector<1x256xf32>
    %add3A_35 = vector.broadcast %get3A_34 : vector<1x256xf32> to vector<1000x256xf32>
    %add3A_36 = arith.addf %dot_general3A_31, %add3A_35 : vector<1000x256xf32>
    %swap3A = arith.constant 0 : index
    %swap3A_37 = arith.constant 0 : index
    %swap3A_38 = vector.load %arg7[%swap3A, %swap3A_37] : memref<1000x256xf32, #tpu.memory_space<vmem>>, vector<1000x256xf32>
    tpu.vector_store %arg7[%swap3A, %swap3A_37], %add3A_36 {strides = array<i32>} : memref<1000x256xf32, #tpu.memory_space<vmem>>, vector<1000x256xf32>,
    %max3A_39 = arith.constant 0.000000e+00 : f32
    %max3A_40 = vector.broadcast %max3A_39 : f32 to vector<1000x256xf32>
    %max3A_41 = arith.maximumf %add3A_36, %max3A_40 : vector<1000x256xf32>
    %get3A_42 = arith.constant 0 : index
    %get3A_43 = arith.constant 0 : index
    %get3A_44 = vector.load %arg6[%get3A_42, %get3A_43] : memref<256x128xf32, #tpu.memory_space<vmem>>, vector<256x128xf32>
    %dot_general3A_45 = arith.constant dense<0.000000e+00> : vector<1000x128xf32>
    %dot_general3A_46 = tpu.matmul %max3A_41, %get3A_44, %dot_general3A_45 {dimension_numbers = #tpu.dot_dimension_numbers<[1], [0], [0], [1], [0, 0, 1, 1], [], []>, transpose_lhs_hint = false} : vector<1000x256xf32>, vector<256x128xf32>, vector<1000x128xf32> -> vector<1000x128xf32>
    %swap3A_47 = arith.constant 0 : index
    %swap3A_48 = arith.constant 0 : index
    %swap3A_49 = vector.load %arg8[%swap3A_47, %swap3A_48] : memref<1000x128xf32, #tpu.memory_space<vmem>>, vector<1000x128xf32>
    tpu.vector_store %arg8[%swap3A_47, %swap3A_48], %dot_general3A_46 {strides = array<i32>} : memref<1000x128xf32, #tpu.memory_space<vmem>>, vector<1000x128xf32>,
    return
  }
  func.func @transform_0(%arg0: i32) -> (i32, i32) {
    %c0_i32 = arith.constant 0 : i32
    %c0_i32_0 = arith.constant 0 : i32
    return %arg0, %c0_i32 : i32, i32
  }
  func.func @transform_1(%arg0: i32) -> (i32, i32, i32) {
    %c0_i32 = arith.constant 0 : i32
    %c0_i32_0 = arith.constant 0 : i32
    %c0_i32_1 = arith.constant 0 : i32
    return %c0_i32, %arg0, %c0_i32_0 : i32, i32, i32
  }
  func.func @transform_2(%arg0: i32) -> (i32, i32, i32) {
    %c0_i32 = arith.constant 0 : i32
    %c0_i32_0 = arith.constant 0 : i32
    %c0_i32_1 = arith.constant 0 : i32
    return %c0_i32, %arg0, %c0_i32_0 : i32, i32, i32
  }
  func.func @transform_3(%arg0: i32) -> (i32, i32) {
    %c0_i32 = arith.constant 0 : i32
    %c0_i32_0 = arith.constant 0 : i32
    %c0_i32_1 = arith.constant 0 : i32
    return %c0_i32, %c0_i32_0 : i32, i32
  }
  func.func @transform_4(%arg0: i32) -> (i32, i32) {
    %c0_i32 = arith.constant 0 : i32
    %c0_i32_0 = arith.constant 0 : i32
    %c0_i32_1 = arith.constant 0 : i32
    return %c0_i32, %c0_i32_0 : i32, i32
  }
  func.func @transform_5(%arg0: i32) -> (i32, i32) {
    %c0_i32 = arith.constant 0 : i32
    %c0_i32_0 = arith.constant 0 : i32
    %c0_i32_1 = arith.constant 0 : i32
    return %c0_i32, %c0_i32_0 : i32, i32
  }
  func.func @transform_6(%arg0: i32) -> (i32, i32) {
    %c0_i32 = arith.constant 0 : i32
    %c0_i32_0 = arith.constant 0 : i32
    return %arg0, %c0_i32 : i32, i32
  }
  func.func @transform_7(%arg0: i32) -> (i32, i32) {
    %c0_i32 = arith.constant 0 : i32
    %c0_i32_0 = arith.constant 0 : i32
    return %arg0, %c0_i32 : i32, i32
  }
}

module attributes {stable_mosaic.version = 14 : i64} {
  func.func @_tc_final_body(%arg0: i32, %arg1: memref<1000x128xf32, #tpu.memory_space<vmem>>, %arg2: memref<2x1000x128xf32, #tpu.memory_space<vmem>>, %arg3: memref<2x1000x128xf32, #tpu.memory_space<vmem>>, %arg4: memref<1x64xf32, #tpu.memory_space<vmem>>, %arg5: memref<1000x64xf32, #tpu.memory_space<vmem>>) attributes {dimension_semantics = [#tpu.dimension_semantics<arbitrary>], iteration_bounds = array<i64: 10>, scalar_prefetch = 0 : i64, scratch_operands = 0 : i64, tpu.core_type = #tpu.core_type<tc>, window_params = [{transform_indices = @transform_0, window_bounds = array<i64: 1000, 128>}, {transform_indices = @transform_1, window_bounds = array<i64: 2, 1000, 128>}, {transform_indices = @transform_2, window_bounds = array<i64: 2, 1000, 128>}, {pipeline_mode = #tpu.pipeline_mode<synchronous>, transform_indices = @transform_3, window_bounds = array<i64: 1, 64>}, {transform_indices = @transform_4, window_bounds = array<i64: 1000, 64>}]} {
    %get3A = arith.constant 0 : index
    %get3A_0 = arith.constant 0 : index
    %get3A_1 = arith.constant 0 : index
    %get3A_2 = vector.load %arg3[%get3A, %get3A_0, %get3A_1] : memref<2x1000x128xf32, #tpu.memory_space<vmem>>, vector<1x1000x1xf32>
    %get3A_3 = vector.shape_cast %get3A_2 : vector<1x1000x1xf32> to vector<1000x1xf32>
    %get3A_4 = arith.constant 1 : index
    %get3A_5 = arith.constant 0 : index
    %get3A_6 = arith.constant 0 : index
    %get3A_7 = vector.load %arg3[%get3A_4, %get3A_5, %get3A_6] : memref<2x1000x128xf32, #tpu.memory_space<vmem>>, vector<1x1000x1xf32>
    %get3A_8 = vector.shape_cast %get3A_7 : vector<1x1000x1xf32> to vector<1000x1xf32>
    %add3A = arith.addf %get3A_3, %get3A_8 : vector<1000x1xf32>
    %max3A = arith.constant 1.000000e+00 : f32
    %max3A_9 = vector.broadcast %max3A : f32 to vector<1000x1xf32>
    %max3A_10 = arith.maximumf %add3A, %max3A_9 : vector<1000x1xf32>
    %div3A = arith.constant 1.000000e+00 : f32
    %div3A_11 = vector.broadcast %div3A : f32 to vector<1000x1xf32>
    %div3A_12 = arith.divf %div3A_11, %max3A_10 : vector<1000x1xf32>
    %get3A_13 = arith.constant 0 : index
    %get3A_14 = arith.constant 0 : index
    %get3A_15 = arith.constant 64 : index
    %get3A_16 = vector.load %arg2[%get3A_13, %get3A_14, %get3A_15] : memref<2x1000x128xf32, #tpu.memory_space<vmem>>, vector<1x1000x64xf32>
    %get3A_17 = vector.shape_cast %get3A_16 : vector<1x1000x64xf32> to vector<1000x64xf32>
    %get3A_18 = arith.constant 1 : index
    %get3A_19 = arith.constant 0 : index
    %get3A_20 = arith.constant 64 : index
    %get3A_21 = vector.load %arg2[%get3A_18, %get3A_19, %get3A_20] : memref<2x1000x128xf32, #tpu.memory_space<vmem>>, vector<1x1000x64xf32>
    %get3A_22 = vector.shape_cast %get3A_21 : vector<1x1000x64xf32> to vector<1000x64xf32>
    %add3A_23 = arith.addf %get3A_17, %get3A_22 : vector<1000x64xf32>
    %get3A_24 = arith.constant 0 : index
    %get3A_25 = arith.constant 0 : index
    %get3A_26 = vector.load %arg1[%get3A_24, %get3A_25] : memref<1000x128xf32, #tpu.memory_space<vmem>>, vector<1000x64xf32>
    %mul3A = vector.broadcast %div3A_12 : vector<1000x1xf32> to vector<1000x64xf32>
    %mul3A_27 = arith.mulf %add3A_23, %mul3A : vector<1000x64xf32>
    %add3A_28 = arith.addf %get3A_26, %mul3A_27 : vector<1000x64xf32>
    %get3A_29 = arith.constant 0 : index
    %get3A_30 = arith.constant 0 : index
    %get3A_31 = vector.load %arg4[%get3A_29, %get3A_30] : memref<1x64xf32, #tpu.memory_space<vmem>>, vector<1x64xf32>
    %add3A_32 = vector.broadcast %get3A_31 : vector<1x64xf32> to vector<1000x64xf32>
    %add3A_33 = arith.addf %add3A_28, %add3A_32 : vector<1000x64xf32>
    %swap3A = arith.constant 0 : index
    %swap3A_34 = arith.constant 0 : index
    %swap3A_35 = vector.load %arg5[%swap3A, %swap3A_34] : memref<1000x64xf32, #tpu.memory_space<vmem>>, vector<1000x64xf32>
    tpu.vector_store %arg5[%swap3A, %swap3A_34], %add3A_33 {strides = array<i32>} : memref<1000x64xf32, #tpu.memory_space<vmem>>, vector<1000x64xf32>,
    return
  }
  func.func @transform_0(%arg0: i32) -> (i32, i32) {
    %c0_i32 = arith.constant 0 : i32
    %c0_i32_0 = arith.constant 0 : i32
    return %arg0, %c0_i32 : i32, i32
  }
  func.func @transform_1(%arg0: i32) -> (i32, i32, i32) {
    %c0_i32 = arith.constant 0 : i32
    %c0_i32_0 = arith.constant 0 : i32
    %c0_i32_1 = arith.constant 0 : i32
    return %c0_i32, %arg0, %c0_i32_0 : i32, i32, i32
  }
  func.func @transform_2(%arg0: i32) -> (i32, i32, i32) {
    %c0_i32 = arith.constant 0 : i32
    %c0_i32_0 = arith.constant 0 : i32
    %c0_i32_1 = arith.constant 0 : i32
    return %c0_i32, %arg0, %c0_i32_0 : i32, i32, i32
  }
  func.func @transform_3(%arg0: i32) -> (i32, i32) {
    %c0_i32 = arith.constant 0 : i32
    %c0_i32_0 = arith.constant 0 : i32
    %c0_i32_1 = arith.constant 0 : i32
    return %c0_i32, %c0_i32_0 : i32, i32
  }
  func.func @transform_4(%arg0: i32) -> (i32, i32) {
    %c0_i32 = arith.constant 0 : i32
    %c0_i32_0 = arith.constant 0 : i32
    return %arg0, %c0_i32 : i32, i32
  }
}

</mosaic_0001>

<sc_bundles>
// kernel: kernel.6.cloned.1.call-start
scs
__scs_entry_jumppad:
0x0: {  	(pc) =	sbr.rel $0x88, $3  }
0x1: {  	(tag) =	ssettag $0x0;
	lr =	simm.s32 $0x1  }
0x2: {  	[smem:$0x3F99] =	sst lr;
	_ =	strace $0xD0000000  }
0x3: {  	_ = 	snop  }
0x4: {  	_ = 	snop  }
0x5: {  	_ = 	snop  }
0x6: {  	_ = 	snop  }
0x7: {  	_ = 	snop  }
__scs_overlays_trampoline_lowered:
0x8: {  	[smem:$0x3FA8] =	sst s0  }
0x9: {  	[smem:$0x3FA9] =	sst s1  }
0xa: {  	[smem:$0x3FAA] =	sst s2  }
0xb: {  	[smem:$0x3FAB] =	sst s3  }
0xc: {  	[smem:$0x3FAC] =	sst s4  }
0xd: {  	[smem:$0x3FAD] =	sst s5  }
0xe: {  	[smem:$0x3FAE] =	sst s6  }
0xf: {  	[smem:$0x3FAF] =	sst s7  }
0x10: {  	[smem:$0x3FB0] =	sst s8  }
0x11: {  	[smem:$0x3FB1] =	sst s9;
	s0 =	simm.s32 @!p0 $0x0  }
0x12: {  	s1 =	sld [smem:$0x3F97];
	s0 =	simm.s32 @p0 $0x1  }
0x13: {  	[smem:$0x3FB2] =	sst s0;
	s0 =	simm.s32 @!p1 $0x0  }
0x14: {  	s2 =	sld [smem:$0x3F96];
	s0 =	simm.s32 @p1 $0x1  }
0x15: {  	[smem:$0x3FB3] =	sst s0;
	s0 =	simm.s32 @!p2 $0x0  }
0x16: {  	s3 =	sld [smem:$0x3FDB];
	s0 =	simm.s32 @p2 $0x1  }
0x17: {  	s4 =	simm.s32 $0x1BF5;
	[smem:$0x3FB5] =	sst s0  }
0x18: {  	s0 =	sld [smem:$0x3F98];
	_ =	swait.ge [sflag:s4], $0x0  }
0x19: {  	s7 =	sld [smem:$0x3F99]  }
0x1a: {  	s8 =	sadd.s32 $0xFFFFE003, lr  }
0x1b: {  	s9 =	sadd.s32 $0xFFFFFEF7, lr;
	s5 =	simm.s32 $0xFFFFFFFF;
	p2 =	slt.u32 s8, $0xFFFFF086  }
0x1c: {  	p1 =	slt.u32 s9, $0xF7A;
	s5 =	simm.s32 @!p2 $0x0  }
0x1d: {  	s5 =	simm.s32 @p1 $0x1;
	p0 =	seq.s32 s7, s2  }
0x1e: {  	s7 =	smul.u32 @!p0 $0xF7A, s2;
	p2 =	seq.s32 @!p0 s5, $0x0  }
0x1f: {  	s9 =	smul.u32 $0xF7A, s1;
	s8 =	simm.s32 @!p0 $0x1BF5;
	p2 =	por !p2, p0  }
0x20: {  	[sflag:s8] =	ssyncset.s32 @!p0 $0xFFFFF086;
	s6 =	sadd.s32 @!p0 s3, s7;
	s7 =	simm.s32 @!p0 $0x108  }
0x21: {  	s3 =	sadd.s32 s3, s9;
	s6 =	sadd.s32 @!p0 $0x88, s6;
	s7 =	simm.s32 @p2 $0x1082  }
0x22: {  	[simem:s7], [sflag:s8] =	dma.local @!p0 [hbm:s6], $0xF7A  }
0x23: {  	s9 =	sor.u32 $0xD0000000, s2;
	s6 =	simm.s32 $0x108;
	_ =	swait.ge @!p0 [sflag:s8], $0x0  }
0x24: {  	s3 =	sadd.s32 $0x88, s3;
	s6 =	simm.s32 @!p1 $0x1082;
	[sflag:s4] =	ssyncset.s32 $0xFFFFF086  }
0x25: {  	[simem:s6], [sflag:s4] =	dma.local [hbm:s3], $0xF7A  }
0x26: {  	[smem:$0x3F99] =	sst s1;
	(tag) =	ssettag s2;
	_ =	strace s9  }
0x27: {  	s1 =	sld [smem:$0x3FA9]  }
0x28: {  	s2 =	sld [smem:$0x3FAA]  }
0x29: {  	s4 =	sld [smem:$0x3FAC]  }
0x2a: {  	p0 =	seq.s32 s5, $0x0;
	s5 =	sld [smem:$0x3FAD]  }
0x2b: {  	s6 =	sld [smem:$0x3FAE]  }
0x2c: {  	s7 =	sld [smem:$0x3FAF]  }
0x2d: {  	s3 =	simm.s32 $0x108;
	s8 =	sld [smem:$0x3FB0]  }
0x2e: {  	s3 =	simm.s32 @!p0 $0x1082;
	s9 =	sld [smem:$0x3FB1]  }
0x2f: {  	lr =	sadd.s32 s0, s3;
	s0 =	sld [smem:$0x3FA8]  }
0x30: {  	s3 =	sld [smem:$0x3FAB]  }
0x31: {  	[smem:$0x3FB4] =	sst s10  }
0x32: {  	s10 =	sld [smem:$0x3FB2];
	_ =	sdelay $0x3  }
0x33: {  	p0 =	seq.s32 s10, $0x1;
	s10 =	sld [smem:$0x3FB4];
	_ =	sdelay $0x3  }
0x34: {  	[smem:$0x3FB4] =	sst s10  }
0x35: {  	s10 =	sld [smem:$0x3FB3];
	_ =	sdelay $0x3  }
0x36: {  	p1 =	seq.s32 s10, $0x1;
	s10 =	sld [smem:$0x3FB4];
	_ =	sdelay $0x3  }
0x37: {  	[smem:$0x3FB4] =	sst s10  }
0x38: {  	s10 =	sld [smem:$0x3FB5]  }
0x39: {  	_ = 	snop;
	(pc) =	sbr.ind lr, $3  }
0x3a: {  	_ = 	snop  }
0x3b: {  	_ = 	snop  }
0x3c: {  	p2 =	seq.s32 s10, $0x1;
	s10 =	sld [smem:$0x3FB4]  }
0x3d: {  	_ =	shalt  }
0x3e: {  	_ =	shalt  }
0x3f: {  	_ =	shalt  }
0x40: {  	_ =	shalt  }
0x41: {  	_ =	shalt  }
0x42: {  	_ =	shalt  }
0x43: {  	_ =	shalt  }
0x44: {  	_ =	shalt  }
0x45: {  	_ =	shalt  }
0x46: {  	_ =	shalt  }
0x47: {  	_ =	shalt  }
0x48: {  	_ =	shalt  }
0x49: {  	_ =	shalt  }
0x4a: {  	_ =	shalt  }
0x4b: {  	_ =	shalt  }
0x4c: {  	_ =	shalt  }
0x4d: {  	_ =	shalt  }
0x4e: {  	_ =	shalt  }
0x4f: {  	_ =	shalt  }
0x50: {  	_ =	shalt  }
0x51: {  	_ =	shalt  }
0x52: {  	_ =	shalt  }
0x53: {  	_ =	shalt  }
0x54: {  	_ =	shalt  }
0x55: {  	_ =	shalt  }
0x56: {  	_ =	shalt  }
0x57: {  	_ =	shalt  }
0x58: {  	_ =	shalt  }
0x59: {  	_ =	shalt  }
0x5a: {  	_ =	shalt  }
0x5b: {  	_ =	shalt  }
0x5c: {  	_ =	shalt  }
0x5d: {  	_ =	shalt  }
0x5e: {  	_ =	shalt  }
0x5f: {  	_ =	shalt  }
0x60: {  	_ =	shalt  }
0x61: {  	_ =	shalt  }
0x62: {  	_ =	shalt  }
0x63: {  	_ =	shalt  }
0x64: {  	_ =	shalt  }
0x65: {  	_ =	shalt  }
0x66: {  	_ =	shalt  }
0x67: {  	_ =	shalt  }
0x68: {  	_ =	shalt  }
0x69: {  	_ =	shalt  }
0x6a: {  	_ =	shalt  }
0x6b: {  	_ =	shalt  }
0x6c: {  	_ =	shalt  }
0x6d: {  	_ =	shalt  }
0x6e: {  	_ =	shalt  }
0x6f: {  	_ =	shalt  }
0x70: {  	_ =	shalt  }
0x71: {  	_ =	shalt  }
0x72: {  	_ =	shalt  }
0x73: {  	_ =	shalt  }
0x74: {  	_ =	shalt  }
0x75: {  	_ =	shalt  }
0x76: {  	_ =	shalt  }
0x77: {  	_ =	shalt  }
0x78: {  	_ =	shalt  }
0x79: {  	_ =	shalt  }
0x7a: {  	_ =	shalt  }
0x7b: {  	_ =	shalt  }
0x7c: {  	_ =	shalt  }
0x7d: {  	_ =	shalt  }
0x7e: {  	_ =	shalt  }
0x7f: {  	_ =	shalt  }
0x80: {  	_ =	shalt  }
0x81: {  	_ =	shalt  }
0x82: {  	_ =	shalt  }
0x83: {  	_ =	shalt  }
0x84: {  	_ =	shalt  }
0x85: {  	_ =	shalt  }
0x86: {  	_ =	shalt  }
0x87: {  	_ =	shalt  }
.Lfunc_end0:
.L_simem_size_0:
called_computation_lowered:
.L_overlay_start_0:
0x88: {  	s2 =	sld [smem:$0x3FD9]  }
0x89: {  	s3 =	sld [smem:$0x3FFE];
	_ =	sdelay $0x1  }
0x8a: {  	s1 =	srdreg.scid  }
0x8b: {  	s0 =	sand.u32 $0x1, s1  }
0x8c: {  	s14 =	sshll.u32 s0, $0xA;
	s2 =	sadd.s32 s3, s2  }
0x8d: {  	s2 =	sadd.s32 s2, s14  }
0x8e: {  	[smem:$0x3FC0] =	sst s2  }
0x8f: {  	_ = 	snop  }
0x90: {  	s2 =	sld [smem:$0x3FD0];
	_ =	sdelay $0x2  }
0x91: {  	s15 =	simm.s32 $0xA;
	s4 =	simm.s32 $0x10  }
0x92: {  	[smem:s4], [sflag:s15] =	dma.local [hbm:s2], $0x1  }
0x93: {  	_ =	swait.eq [sflag:s15], $0x1  }
0x94: {  	[sflag:s15] =	ssyncset.done $0x0  }
0x95: {  	s16 =	sld [smem:$0x10];
	[sflag:s15] =	ssyncadd.s32 $0xFFFFFFFF  }
0x96: {  	s17 =	sld [smem:$0x11];
	(tm) =	ssettm $0x1  }
0x97: {  	s18 =	sld [smem:$0x3FFB];
	_ =	sdelay $0x3  }
0x98: {  	_ =	strace s18  }
0x99: {  	s4 =	sld [smem:$0x3FFC];
	_ =	sdelay $0x3  }
0x9a: {  	_ =	strace s4  }
0x9b: {  	s4 =	sld [smem:$0x3FFD];
	_ =	sdelay $0x3  }
0x9c: {  	_ =	strace s4  }
0x9d: {  	_ =	strace $0x8FFFFFFF  }
0x9e: {  	s19 =	sld [smem:$0x3FDB];
	_ =	sdelay $0x1  }
0x9f: {  	s5 =	simm.s32 $_scs_section_size  }
0xa0: {  	s6 =	simm.s32 $_size__tile_overlayer_lowered;
	s7 =	simm.s32 $_tile_overlayer_lowered  }
0xa1: {  	s22 =	simm.s32 $0x1BFF;
	s21 =	sshll.u32 s7, $0x1;
	s4 =	sadd.s32 s5, s19  }
0xa2: {  	s8 =	simm.s32 $0x0;
	s20 =	sshll.u32 s6, $0x1;
	s6 =	sadd.s32 s21, s4  }
0xa3: {  	[timem:s8], [sflag:s22] =	dma.local [hbm:s6], s20  }
0xa4: {  	_ =	swait.ge [sflag:s22], s20  }
0xa5: {  	s5 =	ssub.s32 $0x0, s20;
	[sflag:s22] =	ssyncset.done $0x0  }
0xa6: {  	[sflag:s22] =	ssyncadd.s32 s5;
	_ =	sdelay $0x1  }
0xa7: {  	s23 =	simm.s32 $0x1B8B  }
0xa8: {  	_ =	swait.ge [sflag:s23], $0x1  }
0xa9: {  	[sflag:s23] =	ssyncset.done $0x0  }
0xaa: {  	s25 =	simm.s32 $0x1B8E;
	s24 =	sld [smem:$0x3FFE];
	[sflag:s23] =	ssyncadd.s32 $0xFFFFFFFF  }
0xab: {  	s26 =	simm.s32 $execute0_lowered;
	[smem:$0x3FD2] =	sst s25  }
0xac: {  	s6 =	sshll.u32 s26, $0x1;
	_ =	strace $0x80000046;
	[dreg:$0x1] =	wrdreg $0xFFFFFFFF  }
0xad: {  	s28 =	simm.s32 $_size_execute0_lowered;
	s4 =	sadd.s32 s4, s6;
	[dreg:$0x0] =	wrdreg $0x0  }
0xae: {  	s6 =	sshll.u32 s28, $0x1;
	[dreg:$0x2] =	wrdreg s4  }
0xaf: {  	[dreg:$0x3] =	wrdreg s6  }
0xb0: {  	[dreg:$0x4] =	wrdreg $0xC0  }
0xb1: {  	_ =	task [dreg:s8], $0x5FFFF  }
0xb2: {  	[dreg:$0x1] =	wrdreg $0xFFFFFFFF  }
0xb3: {  	[dreg:$0x0] =	wrdreg $0x60  }
0xb4: {  	[dreg:$0x2] =	wrdreg s17  }
0xb5: {  	[dreg:$0x3] =	wrdreg s16  }
0xb6: {  	[dreg:$0x4] =	wrdreg s24  }
0xb7: {  	[dreg:$0x5] =	wrdreg $0x0  }
0xb8: {  	[dreg:$0x6] =	wrdreg $0x9  }
0xb9: {  	_ =	task.clear_ibuf [dreg:s8], $0x7FFFF;
	_ =	strace $0x90000046  }
0xba: {  	s29 =	simm.s32 $0x9;
	_ =	strace $0x80000048  }
0xbb: {  	_ =	swait.ge [sflag:s29], $0x1  }
0xbc: {  	[sflag:s29] =	ssyncadd.s32 $0xFFFFFFFF  }
0xbd: {  	_ =	strace $0x90000048  }
0xbe: {  	_ =	sfence  }
0xbf: {  	s30 =	sld [smem:$0x0];
	_ =	sdelay $0x2  }
0xc0: {  	s31 =	sshll.u32 s1, $0xD;
	s1 =	sshrl.u32 s1, $0x2  }
0xc1: {  	s3 =	sand.u32 $0x4000, s31;
	s1 =	sadd.s32 s1, s30  }
0xc2: {  	s0 =	sor.u32 s3, s0;
	s1 =	sshll.u32 s1, $0x11  }
0xc3: {  	s0 =	sor.u32 s1, s0  }
0xc4: {  	s0 =	sadd.s32 $0x8F2B, s0  }
0xc5: {  	[sflag:s0] =	ssyncadd.remote.s32 $0x1  }
0xc6: {  	_ =	sfence.sel $0xFFFF  }
0xc7: {  	[dreg:$0x0] =	wrdreg $0xFFFFFFFF;
	(pc) =	sbr.abs _section_cstart, $3  }
0xc8: {  	[dreg:$0x1] =	wrdreg $0xFFFFFFFF  }
0xc9: {  	_ =	task.clear_ibuf [dreg:s8], $0x2FFFF;
	_ =	strace $0x9FFFFFFF  }
0xca: {  	(tm) =	ssettm $0x7FFFFFFF  }
0xcb: {  	_ =	shalt  }
tec
execute0_lowered:
.L_overlay_start_1:
0x0: {  	(tag) =	ssettag $0x1  }
0x1: {  	s1 =	rddreg [dreg:$0x0]  }
0x2: {  	s18 =	rddreg [dreg:$0x1]  }
0x3: {  	s5 =	rddreg [dreg:$0x2]  }
0x4: {  	s2 =	rddreg [dreg:$0x3]  }
0x5: {  	s3 =	simm.s32 $0x0;
	s4 =	stileid.u32;
	s6 =	srdreg.scid  }
0x6: {  	[smem:$0x7FF] =	sst s3;
	s19 =	sadd.s32 $0x2600, s5;
	s7 =	smul.u32 $0x4E000, s4  }
0x7: {  	s14 =	sadd.s32 $0xC600, s5;
	s12 =	sadd.s32 $0x5A800, s5;
	s16 =	sand.u32 $0x1, s6  }
0x8: {  	s10 =	smul.u32 $0x13800, s4;
	s21 =	sshll.u32 s4, $0x7;
	s22 =	sshll.u32 s4, $0x5  }
0x9: {  	s31 =	sshll.u32 s4, $0x4;
	p0 =	sne.s32 s4, $0x0;
	s11 =	smul.u32 $0x138800, s16  }
0xa: {  	_ =	strace $0x80000047;
	s6 =	ssub.s32 $0x2, s16;
	s20 =	smul.u32 $0x27100, s16  }
0xb: {  	s30 =	sadd.s32 s22, s19;
	s16 =	sshll.u32 s16, $0x4;
	s19 =	sadd.s32 s31, s19  }
0xc: {  	s26 =	sshrl.u32 s7, $0x2;
	s28 =	sshrl.u32 s6, $0x1;
	s16 =	sadd.s32 s16, s30  }
0xd: {  	s5 =	sadd.s32 s26, s2;
	s17 =	ssub.s32 s6, s28;
	s6 =	sshll.u32 s4, $0x1  }
0xe: {  	s13 =	sadd.s32 s10, s11;
	s15 =	sshrl.u32 s11, $0x3;
	s20 =	sadd.s32 s21, s20  }
0xf: {  	s21 =	simm.s32 $0x2;
	s7 =	sadd.s32 $0x4000, s5;
	s8 =	sadd.s32 $0x8000, s5  }
0x10: {  	s9 =	sadd.s32 $0xC000, s5;
	s10 =	sadd.s32 $0x10000, s5;
	s13 =	sshrl.u32 s13, $0x3  }
0x11: {  	s15 =	sadd.s32 $0x27000, s15;
	s20 =	sshrl.u32 s20, $0x3;
	s17 =	smax.u32 s17, $0x1  }
0x12: {  	s0 =	sadd.s32 s12, s13;
	s29 =	sadd.s32 s12, s15;
	s13 =	sadd.s32 s14, s13  }
0x13: {  	s14 =	sadd.s32 s14, s15;
	s15 =	sadd.s32 $0x138000, s2;
	[dreg:$0x5] =	wrdreg s0  }
0x14: {  	v0 =	vimm.f32 $0.0e+00;
	v1 =	vimm.f32 $1.000000000e+00;
	s18 =	sadd.s32 s20, s18;
	s20 =	simm.s32 $0x13980;
	[dreg:$0x6] =	wrdreg s29  }
.LBB2_1:
0x15: {  	s22 =	simm.s32 $0x0;
	s23 =	simm.s32 $0x200  }
.LBB2_2:
0x16: {  	p1 =	sne.s32 s23, $0xFE00;
	[tilespmem:s22+$0x139F0] =	vst v0  }
0x17: {  	[tilespmem:s22+$0x13980] =	vst v0  }
0x18: {  	[tilespmem:s22+$0x13990] =	vst v0  }
.Ltmp0:
0x19: {  	[tilespmem:s22+$0x139A0] =	vst v0;
	(pc) =	sbr.rel @p1 .LBB2_2-.Ltmp0, $4  }
0x1a: {  	[tilespmem:s22+$0x139B0] =	vst v0  }
0x1b: {  	[tilespmem:s22+$0x139C0] =	vst v0  }
0x1c: {  	[tilespmem:s22+$0x139D0] =	vst v0  }
0x1d: {  	[tilespmem:s22+$0x139E0] =	vst v0;
	s22 =	sshra.s32 s23, $0x2;
	s23 =	sadd.s32 $0x200, s23  }
0x1e: {  	[tilespmem:s22+$0x139F0] =	vst v0  }
0x1f: {  	[tilespmem:s22+$0x13980] =	vst v0  }
0x20: {  	[tilespmem:s22+$0x13990] =	vst v0  }
0x21: {  	[tilespmem:s22+$0x139A0] =	vst v0  }
0x22: {  	[tilespmem:s22+$0x139B0] =	vst v0  }
0x23: {  	[tilespmem:s22+$0x139C0] =	vst v0  }
0x24: {  	[tilespmem:s22+$0x139D0] =	vst v0  }
0x25: {  	[tilespmem:s22+$0x139E0] =	vst v0  }
0x26: {  	[spmem:s5] =	stream.linear.scatter [tilespmem:s20], [sflag:$0x2], $0x4000, $0x38;
	[tilespmem:$0x17980] =	vst v63  }
0x27: {  	_ =	swait.ge [sflag:s21], $0x4000  }
0x28: {  	[sflag:s21] =	ssyncset.done $0x0  }
0x29: {  	[sflag:s21] =	ssyncadd.s32 $0xFFFFC000  }
0x2a: {  	[spmem:s7] =	stream.linear.scatter [tilespmem:s20], [sflag:$0x2], $0x4000, $0x38;
	[tilespmem:$0x17980] =	vst v63  }
0x2b: {  	_ =	swait.ge [sflag:s21], $0x4000  }
0x2c: {  	[sflag:s21] =	ssyncset.done $0x0  }
0x2d: {  	[sflag:s21] =	ssyncadd.s32 $0xFFFFC000  }
0x2e: {  	[spmem:s8] =	stream.linear.scatter [tilespmem:s20], [sflag:$0x2], $0x4000, $0x38;
	[tilespmem:$0x17980] =	vst v63  }
0x2f: {  	_ =	swait.ge [sflag:s21], $0x4000  }
0x30: {  	[sflag:s21] =	ssyncset.done $0x0  }
0x31: {  	[sflag:s21] =	ssyncadd.s32 $0xFFFFC000  }
0x32: {  	[spmem:s9] =	stream.linear.scatter [tilespmem:s20], [sflag:$0x2], $0x4000, $0x38;
	[tilespmem:$0x17980] =	vst v63  }
0x33: {  	_ =	swait.ge [sflag:s21], $0x4000  }
0x34: {  	[sflag:s21] =	ssyncset.done $0x0  }
0x35: {  	[sflag:s21] =	ssyncadd.s32 $0xFFFFC000  }
0x36: {  	[spmem:s10] =	stream.linear.scatter [tilespmem:s20], [sflag:$0x2], $0x3800, $0x38;
	[tilespmem:$0x17980] =	vst v63  }
0x37: {  	_ =	swait.ge [sflag:s21], $0x3800  }
0x38: {  	[sflag:s21] =	ssyncset.done $0x0  }
0x39: {  	s22 =	simm.s32 @!p0 $0x13980;
	[sflag:s21] =	ssyncadd.s32 $0xFFFFC800  }
0x3a: {  	[spmem:s15] =	stream.linear.scatter @!p0 [tilespmem:s22], [sflag:$0x2], $0x800, $0x38;
	[tilespmem:$0x17980] =	vst v63  }
0x3b: {  	s22 =	simm.s32 @!p0 $0x2  }
0x3c: {  	_ =	swait.ge @!p0 [sflag:s22], $0x800  }
0x3d: {  	[sflag:s22] =	ssyncset.done @!p0 $0x0  }
0x3e: {  	s23 =	simm.s32 $0x200;
	[sflag:s22] =	ssyncadd.s32 @!p0 $0xFFFFF800;
	s22 =	simm.s32 $0x0  }
.LBB2_4:
0x3f: {  	p1 =	sne.s32 s23, $0xFE00;
	[tilespmem:s22+$0x139F0] =	vst v1  }
0x40: {  	[tilespmem:s22+$0x13980] =	vst v1  }
0x41: {  	[tilespmem:s22+$0x13990] =	vst v1  }
.Ltmp1:
0x42: {  	[tilespmem:s22+$0x139A0] =	vst v1;
	(pc) =	sbr.rel @p1 .LBB2_4-.Ltmp1, $4  }
0x43: {  	[tilespmem:s22+$0x139B0] =	vst v1  }
0x44: {  	[tilespmem:s22+$0x139C0] =	vst v1  }
0x45: {  	[tilespmem:s22+$0x139D0] =	vst v1  }
0x46: {  	[tilespmem:s22+$0x139E0] =	vst v1;
	s22 =	sshra.s32 s23, $0x2;
	s23 =	sadd.s32 $0x200, s23  }
0x47: {  	[tilespmem:s22+$0x139F0] =	vst v1  }
0x48: {  	[tilespmem:s22+$0x13980] =	vst v1  }
0x49: {  	[tilespmem:s22+$0x13990] =	vst v1  }
0x4a: {  	[tilespmem:s22+$0x139A0] =	vst v1  }
0x4b: {  	[tilespmem:s22+$0x139B0] =	vst v1  }
0x4c: {  	[tilespmem:s22+$0x139C0] =	vst v1  }
0x4d: {  	[tilespmem:s22+$0x139D0] =	vst v1;
	s23 =	sadd.s32 $0x0, s6  }
0x4e: {  	[tilespmem:s22+$0x139E0] =	vst v1;
	p2 =	sgt.u32 s23, $0x4E1  }
0x4f: {  	[bflag:$0x0] =	sbarrier.arrive $0xFFFF;
	p1 =	por p2, p2  }
0x50: {  	s22 =	simm.s32 @!p2 $0x0;
	s23 =	simm.s32 @!p2 $0x13900;
	s24 =	simm.s32 @!p1 $0x3  }
0x51: {  	[tilespmem:s23], [sflag:$0x3] =	stream.linear.gather @!p1 [hbm4b:s16+s22], $0x80, $0x38;
	[tilespmem:$0x17980] =	vst v63  }
0x52: {  	_ =	swait.ge @!p1 [sflag:s24], $0x80  }
0x53: {  	s31 =	sadd.s32 $0x20, s6;
	[sflag:s24] =	ssyncset.done @!p1 $0x0  }
0x54: {  	s22 =	simm.s32 @!p1 $0x80;
	[sflag:s24] =	ssyncadd.s32 @!p1 $0xFFFFFF80;
	s24 =	simm.s32 @!p1 $0x13980  }
0x55: {  	[spmem:s2] =	stream.indirect.scatter.add.f32 @!p1 [tilespmem:s24], [sflag:$0x2], $0x80, s23, s22, $0xb8;
	[tilespmem:$0x17980] =	vst v63  }
0x56: {  	p2 =	sgt.u32 s31, $0x4E1;
	s24 =	simm.s32 @!p1 $0x2  }
0x57: {  	s23 =	simm.s32 $0x40;
	s22 =	sadd.s32 $0x200, s16;
	_ =	swait.ge @!p1 [sflag:s24], $0x4000  }
.LBB2_6:
0x58: {  	s25 =	simm.s32 @!p2 $0x0  }
0x59: {  	s26 =	simm.s32 @!p2 $0x13900;
	[sflag:s24] =	ssyncset.done @!p1 $0x0;
	s28 =	smov.u32 s23  }
0x5a: {  	p3 =	por p1, p1;
	p1 =	por p2, p2;
	s23 =	sadd.s32 $0x20, s23  }
0x5b: {  	s29 =	simm.s32 @!p1 $0x3;
	[sflag:s24] =	ssyncadd.s32 @!p3 $0xFFFFC000;
	p3 =	sne.s32 s23, $0x500  }
0x5c: {  	[tilespmem:s26], [sflag:$0x3] =	stream.linear.gather @!p1 [hbm4b:s22+s25], $0x80, $0x38;
	[tilespmem:$0x17980] =	vst v63  }
.Ltmp2:
0x5d: {  	_ =	swait.ge @!p1 [sflag:s29], $0x80;
	(pc) =	sbr.rel @p3 .LBB2_6-.Ltmp2, $4  }
0x5e: {  	s24 =	simm.s32 @!p1 $0x2;
	s25 =	sadd.s32 s28, s6;
	[sflag:s29] =	ssyncset.done @!p1 $0x0  }
0x5f: {  	s28 =	simm.s32 @!p1 $0x80;
	[sflag:s29] =	ssyncadd.s32 @!p1 $0xFFFFFF80;
	s29 =	simm.s32 @!p1 $0x13980  }
0x60: {  	[spmem:s2] =	stream.indirect.scatter.add.f32 @!p1 [tilespmem:s29], [sflag:$0x2], $0x80, s26, s28, $0xb8;
	[tilespmem:$0x17980] =	vst v63  }
0x61: {  	s22 =	sadd.s32 $0x200, s22;
	p2 =	sgt.u32 s25, $0x4E1;
	_ =	swait.ge @!p1 [sflag:s24], $0x4000  }
0x62: {  	s23 =	simm.s32 @!p2 $0x0  }
0x63: {  	[sflag:s24] =	ssyncset.done @!p1 $0x0;
	p1 =	por p1, p1;
	p3 =	por p2, p2  }
0x64: {  	s25 =	simm.s32 @!p2 $0x13900;
	s26 =	simm.s32 @!p3 $0x3;
	[sflag:s24] =	ssyncadd.s32 @!p1 $0xFFFFC000  }
0x65: {  	[tilespmem:s25], [sflag:$0x3] =	stream.linear.gather @!p3 [hbm4b:s22+s23], $0x80, $0x38;
	[tilespmem:$0x17980] =	vst v63  }
0x66: {  	_ =	swait.ge @!p3 [sflag:s26], $0x80  }
0x67: {  	s24 =	simm.s32 @!p3 $0x13980;
	[sflag:s26] =	ssyncset.done @!p3 $0x0  }
0x68: {  	s22 =	simm.s32 @!p3 $0x2;
	s23 =	simm.s32 @!p3 $0x80;
	[sflag:s26] =	ssyncadd.s32 @!p3 $0xFFFFFF80  }
0x69: {  	[spmem:s2] =	stream.indirect.scatter.add.f32 @!p3 [tilespmem:s24], [sflag:$0x2], $0x80, s25, s23, $0xb8;
	[tilespmem:$0x17980] =	vst v63  }
0x6a: {  	_ =	swait.ge @!p3 [sflag:s22], $0x4000  }
0x6b: {  	p1 =	por p3, p3;
	[sflag:s22] =	ssyncset.done @!p3 $0x0  }
0x6c: {  	[sflag:s22] =	ssyncadd.s32 @!p1 $0xFFFFC000  }
0x6d: {  	s31 =	sshll.u32 s4, $0x6;
	[bflag:$0x0] =	sbarrier.arrive $0xFFFF  }
0x6e: {  	s23 =	sshrl.u32 s5, $0x3;
	s22 =	sor.u32 $0x1C02, s31;
	s0 =	rddreg [dreg:$0x5]  }
0x6f: {  	[hbm:s0], [sflag:s22] =	dma.local [spmem:s23], $0x2700  }
0x70: {  	_ =	swait.ge [sflag:s21], $0x2700  }
0x71: {  	s24 =	sshrl.u32 @!p0 s15, $0x3;
	[sflag:s21] =	ssyncset.done $0x0  }
0x72: {  	s25 =	simm.s32 @!p0 $0x2;
	s0 =	rddreg [dreg:$0x6];
	[sflag:s21] =	ssyncadd.s32 $0xFFFFD900  }
0x73: {  	[hbm:s0], [sflag:s22] =	dma.local @!p0 [spmem:s24], $0x100  }
0x74: {  	_ =	swait.ge @!p0 [sflag:s25], $0x100  }
0x75: {  	[sflag:s25] =	ssyncset.done @!p0 $0x0  }
0x76: {  	s26 =	simm.s32 $0x200;
	[sflag:s25] =	ssyncadd.s32 @!p0 $0xFFFFFF00;
	s25 =	simm.s32 $0x0  }
.LBB2_8:
0x77: {  	p1 =	sne.s32 s26, $0xFE00;
	[tilespmem:s25+$0x139F0] =	vst v0  }
0x78: {  	[tilespmem:s25+$0x13980] =	vst v0  }
0x79: {  	[tilespmem:s25+$0x13990] =	vst v0  }
.Ltmp3:
0x7a: {  	[tilespmem:s25+$0x139A0] =	vst v0;
	(pc) =	sbr.rel @p1 .LBB2_8-.Ltmp3, $4  }
0x7b: {  	[tilespmem:s25+$0x139B0] =	vst v0  }
0x7c: {  	[tilespmem:s25+$0x139C0] =	vst v0  }
0x7d: {  	[tilespmem:s25+$0x139D0] =	vst v0  }
0x7e: {  	[tilespmem:s25+$0x139E0] =	vst v0;
	s25 =	sshra.s32 s26, $0x2;
	s26 =	sadd.s32 $0x200, s26  }
0x7f: {  	[tilespmem:s25+$0x139F0] =	vst v0  }
0x80: {  	[tilespmem:s25+$0x13980] =	vst v0  }
0x81: {  	[tilespmem:s25+$0x13990] =	vst v0  }
0x82: {  	[tilespmem:s25+$0x139A0] =	vst v0  }
0x83: {  	[tilespmem:s25+$0x139B0] =	vst v0  }
0x84: {  	[tilespmem:s25+$0x139C0] =	vst v0  }
0x85: {  	[tilespmem:s25+$0x139D0] =	vst v0  }
0x86: {  	[tilespmem:s25+$0x139E0] =	vst v0  }
0x87: {  	[spmem:s5] =	stream.linear.scatter [tilespmem:s20], [sflag:$0x2], $0x4000, $0x38;
	[tilespmem:$0x17980] =	vst v63  }
0x88: {  	_ =	swait.ge [sflag:s21], $0x4000  }
0x89: {  	[sflag:s21] =	ssyncset.done $0x0  }
0x8a: {  	[sflag:s21] =	ssyncadd.s32 $0xFFFFC000  }
0x8b: {  	[spmem:s7] =	stream.linear.scatter [tilespmem:s20], [sflag:$0x2], $0x4000, $0x38;
	[tilespmem:$0x17980] =	vst v63  }
0x8c: {  	_ =	swait.ge [sflag:s21], $0x4000  }
0x8d: {  	[sflag:s21] =	ssyncset.done $0x0  }
0x8e: {  	[sflag:s21] =	ssyncadd.s32 $0xFFFFC000  }
0x8f: {  	[spmem:s8] =	stream.linear.scatter [tilespmem:s20], [sflag:$0x2], $0x4000, $0x38;
	[tilespmem:$0x17980] =	vst v63  }
0x90: {  	_ =	swait.ge [sflag:s21], $0x4000  }
0x91: {  	[sflag:s21] =	ssyncset.done $0x0  }
0x92: {  	[sflag:s21] =	ssyncadd.s32 $0xFFFFC000  }
0x93: {  	[spmem:s9] =	stream.linear.scatter [tilespmem:s20], [sflag:$0x2], $0x4000, $0x38;
	[tilespmem:$0x17980] =	vst v63  }
0x94: {  	_ =	swait.ge [sflag:s21], $0x4000  }
0x95: {  	[sflag:s21] =	ssyncset.done $0x0  }
0x96: {  	[sflag:s21] =	ssyncadd.s32 $0xFFFFC000  }
0x97: {  	[spmem:s10] =	stream.linear.scatter [tilespmem:s20], [sflag:$0x2], $0x3800, $0x38;
	[tilespmem:$0x17980] =	vst v63  }
0x98: {  	_ =	swait.ge [sflag:s21], $0x3800  }
0x99: {  	[sflag:s21] =	ssyncset.done $0x0  }
0x9a: {  	s25 =	simm.s32 @!p0 $0x13980;
	[sflag:s21] =	ssyncadd.s32 $0xFFFFC800  }
0x9b: {  	[spmem:s15] =	stream.linear.scatter @!p0 [tilespmem:s25], [sflag:$0x2], $0x800, $0x38;
	[tilespmem:$0x17980] =	vst v63  }
0x9c: {  	s25 =	simm.s32 @!p0 $0x2  }
0x9d: {  	_ =	swait.ge @!p0 [sflag:s25], $0x800  }
0x9e: {  	p1 =	sgt.u32 s4, $0x4E1;
	[sflag:s25] =	ssyncset.done @!p0 $0x0  }
0x9f: {  	s26 =	simm.s32 @!p1 $0x0;
	s28 =	simm.s32 @!p1 $0x13880;
	[sflag:s25] =	ssyncadd.s32 @!p0 $0xFFFFF800  }
0xa0: {  	s29 =	simm.s32 @!p1 $0x3;
	s25 =	sadd.s32 @!p1 $0x0, s18;
	[bflag:$0x0] =	sbarrier.arrive $0xFFFF  }
0xa1: {  	[tilespmem:s28], [sflag:$0x3] =	stream.linear.gather @!p1 [hbm4b:s25+s26], $0x80, $0x38;
	[tilespmem:$0x17980] =	vst v63  }
0xa2: {  	_ =	swait.ge @!p1 [sflag:s29], $0x80  }
0xa3: {  	[sflag:s29] =	ssyncset.done @!p1 $0x0  }
0xa4: {  	s30 =	simm.s32 @!p1 $0x13900;
	s25 =	sadd.s32 @!p1 $0x0, s19;
	[sflag:s29] =	ssyncadd.s32 @!p1 $0xFFFFFF80  }
0xa5: {  	[tilespmem:s30], [sflag:$0x3] =	stream.linear.gather @!p1 [hbm4b:s25+s26], $0x80, $0x38;
	[tilespmem:$0x17980] =	vst v63  }
0xa6: {  	_ =	swait.ge @!p1 [sflag:s29], $0x80;
	p1 =	por p1, p1  }
0xa7: {  	[sflag:s29] =	ssyncset.done @!p1 $0x0;
	s25 =	simm.s32 @!p1 $0x80  }
0xa8: {  	s26 =	simm.s32 @!p1 $0x13980;
	[sflag:s29] =	ssyncadd.s32 @!p1 $0xFFFFFF80;
	s29 =	simm.s32 @!p1 $0x1  }
0xa9: {  	[tilespmem:s26], [sflag:$0x1] =	stream.indirect.gather @!p1 [hbm4b:s1+s25], $0x80, s28, s25, $0xb8;
	[tilespmem:$0x17980] =	vst v63  }
0xaa: {  	_ =	swait.ge @!p1 [sflag:s29], $0x4000  }
0xab: {  	[sflag:s29] =	ssyncset.done @!p1 $0x0  }
0xac: {  	[sflag:s29] =	ssyncadd.s32 @!p1 $0xFFFFC000  }
0xad: {  	[spmem:s2] =	stream.indirect.scatter.add.f32 @!p1 [tilespmem:s26], [sflag:$0x2], $0x80, s30, s25, $0xb8;
	[tilespmem:$0x17980] =	vst v63  }
0xae: {  	s28 =	simm.s32 $0x200;
	s29 =	simm.s32 @!p1 $0x2;
	s26 =	sadd.s32 $0x10, s4  }
0xaf: {  	s25 =	simm.s32 $0x100;
	p2 =	sgt.u32 s26, $0x4E1;
	_ =	swait.ge @!p1 [sflag:s29], $0x4000  }
.LBB2_10:
0xb0: {  	s30 =	sadd.s32 @!p2 s25, s18;
	s31 =	simm.s32 @!p2 $0x0;
	[sflag:s29] =	ssyncset.done @!p1 $0x0  }
0xb1: {  	s0 =	simm.s32 @!p2 $0x13880;
	s11 =	simm.s32 @!p2 $0x3;
	[sflag:s29] =	ssyncadd.s32 @!p1 $0xFFFFC000  }
0xb2: {  	[tilespmem:s0], [sflag:$0x3] =	stream.linear.gather @!p2 [hbm4b:s30+s31], $0x80, $0x38;
	[tilespmem:$0x17980] =	vst v63  }
0xb3: {  	s29 =	smov.u32 s28;
	s28 =	sadd.s32 $0x100, s28;
	_ =	swait.ge @!p2 [sflag:s11], $0x80  }
0xb4: {  	s12 =	simm.s32 @!p2 $0x13900;
	s30 =	sadd.s32 @!p2 s25, s19;
	[sflag:s11] =	ssyncset.done @!p2 $0x0  }
0xb5: {  	p3 =	sne.s32 s28, $0x4F00;
	s25 =	smov.u32 s29;
	[sflag:s11] =	ssyncadd.s32 @!p2 $0xFFFFFF80  }
0xb6: {  	[tilespmem:s12], [sflag:$0x3] =	stream.linear.gather @!p2 [hbm4b:s30+s31], $0x80, $0x38;
	[tilespmem:$0x17980] =	vst v63  }
0xb7: {  	p1 =	por p2, p2;
	_ =	swait.ge @!p2 [sflag:s11], $0x80  }
0xb8: {  	s30 =	simm.s32 @!p1 $0x80;
	s31 =	simm.s32 @!p1 $0x13980;
	[sflag:s11] =	ssyncset.done @!p1 $0x0  }
0xb9: {  	[sflag:s11] =	ssyncadd.s32 @!p1 $0xFFFFFF80;
	s11 =	simm.s32 @!p1 $0x1  }
0xba: {  	[tilespmem:s31], [sflag:$0x1] =	stream.indirect.gather @!p1 [hbm4b:s1+s30], $0x80, s0, s30, $0xb8;
	[tilespmem:$0x17980] =	vst v63  }
.Ltmp4:
0xbb: {  	_ =	swait.ge @!p1 [sflag:s11], $0x4000;
	(pc) =	sbr.rel @p3 .LBB2_10-.Ltmp4, $4  }
0xbc: {  	[sflag:s11] =	ssyncset.done @!p1 $0x0  }
0xbd: {  	s26 =	sadd.s32 $0x10, s26;
	s29 =	simm.s32 @!p1 $0x2;
	[sflag:s11] =	ssyncadd.s32 @!p1 $0xFFFFC000  }
0xbe: {  	[spmem:s2] =	stream.indirect.scatter.add.f32 @!p1 [tilespmem:s31], [sflag:$0x2], $0x80, s12, s30, $0xb8;
	[tilespmem:$0x17980] =	vst v63  }
0xbf: {  	p2 =	sgt.u32 s26, $0x4E1;
	_ =	swait.ge @!p1 [sflag:s29], $0x4000  }
0xc0: {  	s0 =	sadd.s32 @!p2 s25, s18;
	s11 =	simm.s32 @!p2 $0x0;
	[sflag:s29] =	ssyncset.done @!p1 $0x0  }
0xc1: {  	s12 =	simm.s32 @!p2 $0x13880;
	s26 =	simm.s32 @!p2 $0x3;
	[sflag:s29] =	ssyncadd.s32 @!p1 $0xFFFFC000  }
0xc2: {  	[tilespmem:s12], [sflag:$0x3] =	stream.linear.gather @!p2 [hbm4b:s0+s11], $0x80, $0x38;
	[tilespmem:$0x17980] =	vst v63  }
0xc3: {  	_ =	swait.ge @!p2 [sflag:s26], $0x80  }
0xc4: {  	[sflag:s26] =	ssyncset.done @!p2 $0x0  }
0xc5: {  	s0 =	sadd.s32 @!p2 s25, s19;
	s25 =	simm.s32 @!p2 $0x13900;
	[sflag:s26] =	ssyncadd.s32 @!p2 $0xFFFFFF80  }
0xc6: {  	[tilespmem:s25], [sflag:$0x3] =	stream.linear.gather @!p2 [hbm4b:s0+s11], $0x80, $0x38;
	[tilespmem:$0x17980] =	vst v63  }
0xc7: {  	p1 =	por p2, p2;
	_ =	swait.ge @!p2 [sflag:s26], $0x80  }
0xc8: {  	s0 =	simm.s32 @!p1 $0x80;
	[sflag:s26] =	ssyncset.done @!p1 $0x0  }
0xc9: {  	s11 =	simm.s32 @!p1 $0x13980;
	[sflag:s26] =	ssyncadd.s32 @!p1 $0xFFFFFF80;
	s26 =	simm.s32 @!p1 $0x1  }
0xca: {  	[tilespmem:s11], [sflag:$0x1] =	stream.indirect.gather @!p1 [hbm4b:s1+s0], $0x80, s12, s0, $0xb8;
	[tilespmem:$0x17980] =	vst v63  }
0xcb: {  	_ =	swait.ge @!p1 [sflag:s26], $0x4000  }
0xcc: {  	[sflag:s26] =	ssyncset.done @!p1 $0x0  }
0xcd: {  	s12 =	simm.s32 @!p1 $0x2;
	[sflag:s26] =	ssyncadd.s32 @!p1 $0xFFFFC000  }
0xce: {  	[spmem:s2] =	stream.indirect.scatter.add.f32 @!p1 [tilespmem:s11], [sflag:$0x2], $0x80, s25, s0, $0xb8;
	[tilespmem:$0x17980] =	vst v63  }
0xcf: {  	_ =	swait.ge @!p1 [sflag:s12], $0x4000  }
0xd0: {  	[sflag:s12] =	ssyncset.done @!p1 $0x0  }
0xd1: {  	[sflag:s12] =	ssyncadd.s32 @!p1 $0xFFFFC000  }
0xd2: {  	[bflag:$0x0] =	sbarrier.arrive $0xFFFF  }
0xd3: {  	[hbm:s13], [sflag:s22] =	dma.local [spmem:s23], $0x2700  }
0xd4: {  	s3 =	sadd.s32 $0x1, s3;
	_ =	swait.ge [sflag:s21], $0x2700  }
0xd5: {  	p1 =	sne.s32 s3, s17;
	[sflag:s21] =	ssyncset.done $0x0  }
.Ltmp5:
0xd6: {  	s0 =	simm.s32 @!p0 $0x2;
	[sflag:s21] =	ssyncadd.s32 $0xFFFFD900;
	(pc) =	sbr.rel @p1 .LBB2_1-.Ltmp5, $4  }
0xd7: {  	[hbm:s14], [sflag:s22] =	dma.local @!p0 [spmem:s24], $0x100  }
0xd8: {  	_ =	swait.ge @!p0 [sflag:s0], $0x100  }
0xd9: {  	[sflag:s0] =	ssyncset.done @!p0 $0x0  }
0xda: {  	[sflag:s0] =	ssyncadd.s32 @!p0 $0xFFFFFF00  }
0xdb: {  	_ =	sfence.sel $0x180000  }
0xdc: {  	[bflag:$0x0] =	sbarrier.arrive $0xFFFF  }
0xdd: {  	_ =	strace $0x90000047  }
0xde: {  	[bflag:$0x2] =	sbarrier.arrive $0xFFFF  }
0xdf: {  	s0 =	rddreg [dreg:$0x4]  }
0xe0: {  	s0 =	sadd.s32 @!p0 $0x100000, s0  }
0xe1: {  	[sflag:s0] =	ssyncadd.tile.s32 @!p0 $0x1;
	_ =	shalt  }
.Lfunc_end2:
_tile_overlayer_lowered:
.L_overlay_start_2:
0xe2: {  	(tag) =	ssettag $0x2  }
0xe3: {  	s0 =	rddreg [dreg:$0x0];
	s2 =	stileid.u32  }
0xe4: {  	s1 =	rddreg [dreg:$0x1];
	p0 =	sne.s32 s2, $0x0  }
0xe5: {  	s3 =	rddreg [dreg:$0x2];
	[bflag:$0x3] =	sbarrier.arrive $0xFFFF;
	s2 =	simm.s32 @!p0 $0x1C02  }
0xe6: {  	[timem:s3], [sflag:s2] =	dma.local @!p0 [hbm:s0], s1  }
0xe7: {  	s0 =	simm.s32 @!p0 $0x2  }
0xe8: {  	_ =	swait.ge @!p0 [sflag:s0], s1  }
0xe9: {  	s1 =	ssub.s32 @!p0 $0x0, s1;
	[sflag:s0] =	ssyncset.done @!p0 $0x0  }
0xea: {  	[sflag:s0] =	ssyncadd.s32 @!p0 s1  }
0xeb: {  	[bflag:$0x3] =	sbarrier.arrive $0xFFFF  }
0xec: {  	_ =	shalt  }

// kernel: kernel.9.cloned.1.call-start
scs
__scs_entry_jumppad:
0x0: {  	(pc) =	sbr.rel $0x88, $3  }
0x1: {  	(tag) =	ssettag $0x0;
	lr =	simm.s32 $0x1  }
0x2: {  	[smem:$0x3F99] =	sst lr;
	_ =	strace $0xD0000000  }
0x3: {  	_ = 	snop  }
0x4: {  	_ = 	snop  }
0x5: {  	_ = 	snop  }
0x6: {  	_ = 	snop  }
0x7: {  	_ = 	snop  }
__scs_overlays_trampoline_lowered:
0x8: {  	[smem:$0x3FA8] =	sst s0  }
0x9: {  	[smem:$0x3FA9] =	sst s1  }
0xa: {  	[smem:$0x3FAA] =	sst s2  }
0xb: {  	[smem:$0x3FAB] =	sst s3  }
0xc: {  	[smem:$0x3FAC] =	sst s4  }
0xd: {  	[smem:$0x3FAD] =	sst s5  }
0xe: {  	[smem:$0x3FAE] =	sst s6  }
0xf: {  	[smem:$0x3FAF] =	sst s7  }
0x10: {  	[smem:$0x3FB0] =	sst s8  }
0x11: {  	[smem:$0x3FB1] =	sst s9;
	s0 =	simm.s32 @!p0 $0x0  }
0x12: {  	s1 =	sld [smem:$0x3F97];
	s0 =	simm.s32 @p0 $0x1  }
0x13: {  	[smem:$0x3FB2] =	sst s0;
	s0 =	simm.s32 @!p1 $0x0  }
0x14: {  	s2 =	sld [smem:$0x3F96];
	s0 =	simm.s32 @p1 $0x1  }
0x15: {  	[smem:$0x3FB3] =	sst s0;
	s0 =	simm.s32 @!p2 $0x0  }
0x16: {  	s3 =	sld [smem:$0x3FDB];
	s0 =	simm.s32 @p2 $0x1  }
0x17: {  	s4 =	simm.s32 $0x1BF5;
	[smem:$0x3FB5] =	sst s0  }
0x18: {  	s0 =	sld [smem:$0x3F98];
	_ =	swait.ge [sflag:s4], $0x0  }
0x19: {  	s7 =	sld [smem:$0x3F99]  }
0x1a: {  	s8 =	sadd.s32 $0xFFFFE003, lr  }
0x1b: {  	s9 =	sadd.s32 $0xFFFFFEF7, lr;
	s5 =	simm.s32 $0xFFFFFFFF;
	p2 =	slt.u32 s8, $0xFFFFF086  }
0x1c: {  	p1 =	slt.u32 s9, $0xF7A;
	s5 =	simm.s32 @!p2 $0x0  }
0x1d: {  	s5 =	simm.s32 @p1 $0x1;
	p0 =	seq.s32 s7, s2  }
0x1e: {  	s7 =	smul.u32 @!p0 $0xF7A, s2;
	p2 =	seq.s32 @!p0 s5, $0x0  }
0x1f: {  	s9 =	smul.u32 $0xF7A, s1;
	s8 =	simm.s32 @!p0 $0x1BF5;
	p2 =	por !p2, p0  }
0x20: {  	[sflag:s8] =	ssyncset.s32 @!p0 $0xFFFFF086;
	s6 =	sadd.s32 @!p0 s3, s7;
	s7 =	simm.s32 @!p0 $0x108  }
0x21: {  	s3 =	sadd.s32 s3, s9;
	s6 =	sadd.s32 @!p0 $0x88, s6;
	s7 =	simm.s32 @p2 $0x1082  }
0x22: {  	[simem:s7], [sflag:s8] =	dma.local @!p0 [hbm:s6], $0xF7A  }
0x23: {  	s9 =	sor.u32 $0xD0000000, s2;
	s6 =	simm.s32 $0x108;
	_ =	swait.ge @!p0 [sflag:s8], $0x0  }
0x24: {  	s3 =	sadd.s32 $0x88, s3;
	s6 =	simm.s32 @!p1 $0x1082;
	[sflag:s4] =	ssyncset.s32 $0xFFFFF086  }
0x25: {  	[simem:s6], [sflag:s4] =	dma.local [hbm:s3], $0xF7A  }
0x26: {  	[smem:$0x3F99] =	sst s1;
	(tag) =	ssettag s2;
	_ =	strace s9  }
0x27: {  	s1 =	sld [smem:$0x3FA9]  }
0x28: {  	s2 =	sld [smem:$0x3FAA]  }
0x29: {  	s4 =	sld [smem:$0x3FAC]  }
0x2a: {  	p0 =	seq.s32 s5, $0x0;
	s5 =	sld [smem:$0x3FAD]  }
0x2b: {  	s6 =	sld [smem:$0x3FAE]  }
0x2c: {  	s7 =	sld [smem:$0x3FAF]  }
0x2d: {  	s3 =	simm.s32 $0x108;
	s8 =	sld [smem:$0x3FB0]  }
0x2e: {  	s3 =	simm.s32 @!p0 $0x1082;
	s9 =	sld [smem:$0x3FB1]  }
0x2f: {  	lr =	sadd.s32 s0, s3;
	s0 =	sld [smem:$0x3FA8]  }
0x30: {  	s3 =	sld [smem:$0x3FAB]  }
0x31: {  	[smem:$0x3FB4] =	sst s10  }
0x32: {  	s10 =	sld [smem:$0x3FB2];
	_ =	sdelay $0x3  }
0x33: {  	p0 =	seq.s32 s10, $0x1;
	s10 =	sld [smem:$0x3FB4];
	_ =	sdelay $0x3  }
0x34: {  	[smem:$0x3FB4] =	sst s10  }
0x35: {  	s10 =	sld [smem:$0x3FB3];
	_ =	sdelay $0x3  }
0x36: {  	p1 =	seq.s32 s10, $0x1;
	s10 =	sld [smem:$0x3FB4];
	_ =	sdelay $0x3  }
0x37: {  	[smem:$0x3FB4] =	sst s10  }
0x38: {  	s10 =	sld [smem:$0x3FB5]  }
0x39: {  	_ = 	snop;
	(pc) =	sbr.ind lr, $3  }
0x3a: {  	_ = 	snop  }
0x3b: {  	_ = 	snop  }
0x3c: {  	p2 =	seq.s32 s10, $0x1;
	s10 =	sld [smem:$0x3FB4]  }
0x3d: {  	_ =	shalt  }
0x3e: {  	_ =	shalt  }
0x3f: {  	_ =	shalt  }
0x40: {  	_ =	shalt  }
0x41: {  	_ =	shalt  }
0x42: {  	_ =	shalt  }
0x43: {  	_ =	shalt  }
0x44: {  	_ =	shalt  }
0x45: {  	_ =	shalt  }
0x46: {  	_ =	shalt  }
0x47: {  	_ =	shalt  }
0x48: {  	_ =	shalt  }
0x49: {  	_ =	shalt  }
0x4a: {  	_ =	shalt  }
0x4b: {  	_ =	shalt  }
0x4c: {  	_ =	shalt  }
0x4d: {  	_ =	shalt  }
0x4e: {  	_ =	shalt  }
0x4f: {  	_ =	shalt  }
0x50: {  	_ =	shalt  }
0x51: {  	_ =	shalt  }
0x52: {  	_ =	shalt  }
0x53: {  	_ =	shalt  }
0x54: {  	_ =	shalt  }
0x55: {  	_ =	shalt  }
0x56: {  	_ =	shalt  }
0x57: {  	_ =	shalt  }
0x58: {  	_ =	shalt  }
0x59: {  	_ =	shalt  }
0x5a: {  	_ =	shalt  }
0x5b: {  	_ =	shalt  }
0x5c: {  	_ =	shalt  }
0x5d: {  	_ =	shalt  }
0x5e: {  	_ =	shalt  }
0x5f: {  	_ =	shalt  }
0x60: {  	_ =	shalt  }
0x61: {  	_ =	shalt  }
0x62: {  	_ =	shalt  }
0x63: {  	_ =	shalt  }
0x64: {  	_ =	shalt  }
0x65: {  	_ =	shalt  }
0x66: {  	_ =	shalt  }
0x67: {  	_ =	shalt  }
0x68: {  	_ =	shalt  }
0x69: {  	_ =	shalt  }
0x6a: {  	_ =	shalt  }
0x6b: {  	_ =	shalt  }
0x6c: {  	_ =	shalt  }
0x6d: {  	_ =	shalt  }
0x6e: {  	_ =	shalt  }
0x6f: {  	_ =	shalt  }
0x70: {  	_ =	shalt  }
0x71: {  	_ =	shalt  }
0x72: {  	_ =	shalt  }
0x73: {  	_ =	shalt  }
0x74: {  	_ =	shalt  }
0x75: {  	_ =	shalt  }
0x76: {  	_ =	shalt  }
0x77: {  	_ =	shalt  }
0x78: {  	_ =	shalt  }
0x79: {  	_ =	shalt  }
0x7a: {  	_ =	shalt  }
0x7b: {  	_ =	shalt  }
0x7c: {  	_ =	shalt  }
0x7d: {  	_ =	shalt  }
0x7e: {  	_ =	shalt  }
0x7f: {  	_ =	shalt  }
0x80: {  	_ =	shalt  }
0x81: {  	_ =	shalt  }
0x82: {  	_ =	shalt  }
0x83: {  	_ =	shalt  }
0x84: {  	_ =	shalt  }
0x85: {  	_ =	shalt  }
0x86: {  	_ =	shalt  }
0x87: {  	_ =	shalt  }
.Lfunc_end0:
.L_simem_size_0:
called_computation.1_lowered:
.L_overlay_start_0:
0x88: {  	s2 =	sld [smem:$0x3FD9]  }
0x89: {  	s3 =	sld [smem:$0x3FFE];
	_ =	sdelay $0x1  }
0x8a: {  	s1 =	srdreg.scid  }
0x8b: {  	s0 =	sand.u32 $0x1, s1  }
0x8c: {  	s16 =	sshll.u32 s0, $0xA;
	s2 =	sadd.s32 s3, s2  }
0x8d: {  	s2 =	sadd.s32 s2, s16  }
0x8e: {  	[smem:$0x3FC0] =	sst s2  }
0x8f: {  	_ = 	snop  }
0x90: {  	(tm) =	ssettm $0x1  }
0x91: {  	s17 =	sld [smem:$0x3FFB];
	_ =	sdelay $0x3  }
0x92: {  	_ =	strace s17  }
0x93: {  	s2 =	sld [smem:$0x3FFC];
	_ =	sdelay $0x3  }
0x94: {  	_ =	strace s2  }
0x95: {  	s2 =	sld [smem:$0x3FFD];
	_ =	sdelay $0x3  }
0x96: {  	_ =	strace s2  }
0x97: {  	_ =	strace $0x8FFFFFFF  }
0x98: {  	s18 =	sld [smem:$0x3FDB];
	_ =	sdelay $0x1  }
0x99: {  	s19 =	simm.s32 $_scs_section_size  }
0x9a: {  	s4 =	simm.s32 $_size__tile_overlayer_lowered;
	s5 =	simm.s32 $_tile_overlayer_lowered  }
0x9b: {  	s22 =	simm.s32 $0x1BFF;
	s21 =	sshll.u32 s5, $0x1;
	s2 =	sadd.s32 s19, s18  }
0x9c: {  	s6 =	simm.s32 $0x0;
	s20 =	sshll.u32 s4, $0x1;
	s4 =	sadd.s32 s21, s2  }
0x9d: {  	[timem:s6], [sflag:s22] =	dma.local [hbm:s4], s20  }
0x9e: {  	_ =	swait.ge [sflag:s22], s20  }
0x9f: {  	s3 =	ssub.s32 $0x0, s20;
	[sflag:s22] =	ssyncset.done $0x0  }
0xa0: {  	[sflag:s22] =	ssyncadd.s32 s3;
	_ =	sdelay $0x1  }
0xa1: {  	s23 =	simm.s32 $0x1B8B  }
0xa2: {  	_ =	swait.ge [sflag:s23], $0x1  }
0xa3: {  	[sflag:s23] =	ssyncset.done $0x0  }
0xa4: {  	s25 =	simm.s32 $0x1B8E;
	s24 =	sld [smem:$0x3FFE];
	[sflag:s23] =	ssyncadd.s32 $0xFFFFFFFF  }
0xa5: {  	s26 =	simm.s32 $execute0_lowered;
	[smem:$0x3FD2] =	sst s25  }
0xa6: {  	s4 =	sshll.u32 s26, $0x1;
	_ =	strace $0x80000049;
	[dreg:$0x1] =	wrdreg $0xFFFFFFFF  }
0xa7: {  	s28 =	simm.s32 $_size_execute0_lowered;
	s2 =	sadd.s32 s2, s4;
	[dreg:$0x0] =	wrdreg $0x0  }
0xa8: {  	s4 =	sshll.u32 s28, $0x1;
	[dreg:$0x2] =	wrdreg s2  }
0xa9: {  	[dreg:$0x3] =	wrdreg s4  }
0xaa: {  	[dreg:$0x4] =	wrdreg $0xC0  }
0xab: {  	_ =	task [dreg:s6], $0x5FFFF  }
0xac: {  	[dreg:$0x1] =	wrdreg $0xFFFFFFFF  }
0xad: {  	[dreg:$0x0] =	wrdreg $0x60  }
0xae: {  	[dreg:$0x2] =	wrdreg s24  }
0xaf: {  	[dreg:$0x3] =	wrdreg $0x0  }
0xb0: {  	[dreg:$0x4] =	wrdreg $0x9  }
0xb1: {  	_ =	task.clear_ibuf [dreg:s6], $0x5FFFF;
	_ =	strace $0x90000049  }
0xb2: {  	s29 =	simm.s32 $0x9;
	_ =	strace $0x8000004B  }
0xb3: {  	_ =	swait.ge [sflag:s29], $0x1  }
0xb4: {  	[sflag:s29] =	ssyncadd.s32 $0xFFFFFFFF  }
0xb5: {  	_ =	strace $0x9000004B  }
0xb6: {  	_ =	sfence  }
0xb7: {  	s30 =	sld [smem:$0x0];
	_ =	sdelay $0x2  }
0xb8: {  	s31 =	sshll.u32 s1, $0xD;
	s1 =	sshrl.u32 s1, $0x2  }
0xb9: {  	s3 =	sand.u32 $0x4000, s31;
	s1 =	sadd.s32 s1, s30  }
0xba: {  	s0 =	sor.u32 s3, s0;
	s1 =	sshll.u32 s1, $0x11  }
0xbb: {  	s0 =	sor.u32 s1, s0  }
0xbc: {  	s0 =	sadd.s32 $0x8F2B, s0  }
0xbd: {  	[sflag:s0] =	ssyncadd.remote.s32 $0x1  }
0xbe: {  	_ =	sfence.sel $0xFFFF  }
0xbf: {  	[dreg:$0x0] =	wrdreg $0xFFFFFFFF;
	(pc) =	sbr.abs _section_cstart, $3  }
0xc0: {  	[dreg:$0x1] =	wrdreg $0xFFFFFFFF  }
0xc1: {  	_ =	task.clear_ibuf [dreg:s6], $0x2FFFF;
	_ =	strace $0x9FFFFFFF  }
0xc2: {  	(tm) =	ssettm $0x7FFFFFFF  }
0xc3: {  	_ =	shalt  }
tec
execute0_lowered:
.L_overlay_start_1:
0x0: {  	(tag) =	ssettag $0x1  }
0x1: {  	s5 =	rddreg [dreg:$0x0]  }
0x2: {  	s1 =	rddreg [dreg:$0x1]  }
0x3: {  	s0 =	rddreg [dreg:$0x2];
	s2 =	simm.s32 $0x0;
	s3 =	stileid.u32  }
0x4: {  	s4 =	srdreg.scid;
	[smem:$0x7FF] =	sst s2;
	s6 =	sshll.u32 s3, $0x5  }
0x5: {  	s12 =	sand.u32 $0x1, s4;
	s7 =	smul.u32 $0x4E000, s3;
	s4 =	sadd.s32 $0xC600, s5  }
0x6: {  	s13 =	sadd.s32 $0xA8A00, s5;
	s17 =	smul.u32 $0x13800, s3;
	s11 =	sadd.s32 $0x138000, s1  }
0x7: {  	p0 =	sne.s32 s3, $0x0;
	_ =	strace $0x8000004A;
	s14 =	sadd.s32 s6, s5  }
0x8: {  	s29 =	ssub.s32 $0x2, s12;
	s16 =	smul.u32 $0x138800, s12;
	s6 =	sshll.u32 s3, $0x1  }
0x9: {  	s18 =	sshll.u32 s12, $0x4;
	s30 =	sshrl.u32 s29, $0x1;
	s7 =	sshrl.u32 s7, $0x2  }
0xa: {  	s31 =	sadd.s32 s18, s14;
	s18 =	simm.s32 $0x2;
	s15 =	ssub.s32 s29, s30  }
0xb: {  	s5 =	sadd.s32 s7, s1;
	s17 =	sadd.s32 s17, s16;
	s16 =	sshrl.u32 s16, $0x3  }
0xc: {  	s7 =	sadd.s32 $0x4000, s5;
	s8 =	sadd.s32 $0x8000, s5;
	s9 =	sadd.s32 $0xC000, s5  }
0xd: {  	s10 =	sadd.s32 $0x10000, s5;
	s17 =	sshrl.u32 s17, $0x3;
	s16 =	sadd.s32 s13, s16  }
0xe: {  	s14 =	smax.u32 s15, $0x1;
	s15 =	sadd.s32 $0x2600, s31;
	s12 =	sadd.s32 s13, s17  }
0xf: {  	v0 =	vimm.f32 $0.0e+00;
	s13 =	sadd.s32 $0x27000, s16;
	s16 =	sadd.s32 $0x7600, s31;
	s17 =	simm.s32 $0x13980  }
.LBB2_1:
0x10: {  	s19 =	simm.s32 $0x0;
	s20 =	simm.s32 $0x200  }
.LBB2_2:
0x11: {  	p1 =	sne.s32 s20, $0xFE00;
	[tilespmem:s19+$0x139F0] =	vst v0  }
0x12: {  	[tilespmem:s19+$0x13980] =	vst v0  }
0x13: {  	[tilespmem:s19+$0x13990] =	vst v0  }
.Ltmp0:
0x14: {  	[tilespmem:s19+$0x139A0] =	vst v0;
	(pc) =	sbr.rel @p1 .LBB2_2-.Ltmp0, $4  }
0x15: {  	[tilespmem:s19+$0x139B0] =	vst v0  }
0x16: {  	[tilespmem:s19+$0x139C0] =	vst v0  }
0x17: {  	[tilespmem:s19+$0x139D0] =	vst v0  }
0x18: {  	[tilespmem:s19+$0x139E0] =	vst v0;
	s19 =	sshra.s32 s20, $0x2;
	s20 =	sadd.s32 $0x200, s20  }
0x19: {  	[tilespmem:s19+$0x139F0] =	vst v0  }
0x1a: {  	[tilespmem:s19+$0x13980] =	vst v0  }
0x1b: {  	[tilespmem:s19+$0x13990] =	vst v0  }
0x1c: {  	[tilespmem:s19+$0x139A0] =	vst v0  }
0x1d: {  	[tilespmem:s19+$0x139B0] =	vst v0  }
0x1e: {  	[tilespmem:s19+$0x139C0] =	vst v0  }
0x1f: {  	[tilespmem:s19+$0x139D0] =	vst v0  }
0x20: {  	[tilespmem:s19+$0x139E0] =	vst v0  }
0x21: {  	[spmem:s5] =	stream.linear.scatter [tilespmem:s17], [sflag:$0x2], $0x4000, $0x38;
	[tilespmem:$0x17980] =	vst v63  }
0x22: {  	_ =	swait.ge [sflag:s18], $0x4000  }
0x23: {  	[sflag:s18] =	ssyncset.done $0x0  }
0x24: {  	[sflag:s18] =	ssyncadd.s32 $0xFFFFC000  }
0x25: {  	[spmem:s7] =	stream.linear.scatter [tilespmem:s17], [sflag:$0x2], $0x4000, $0x38;
	[tilespmem:$0x17980] =	vst v63  }
0x26: {  	_ =	swait.ge [sflag:s18], $0x4000  }
0x27: {  	[sflag:s18] =	ssyncset.done $0x0  }
0x28: {  	[sflag:s18] =	ssyncadd.s32 $0xFFFFC000  }
0x29: {  	[spmem:s8] =	stream.linear.scatter [tilespmem:s17], [sflag:$0x2], $0x4000, $0x38;
	[tilespmem:$0x17980] =	vst v63  }
0x2a: {  	_ =	swait.ge [sflag:s18], $0x4000  }
0x2b: {  	[sflag:s18] =	ssyncset.done $0x0  }
0x2c: {  	[sflag:s18] =	ssyncadd.s32 $0xFFFFC000  }
0x2d: {  	[spmem:s9] =	stream.linear.scatter [tilespmem:s17], [sflag:$0x2], $0x4000, $0x38;
	[tilespmem:$0x17980] =	vst v63  }
0x2e: {  	_ =	swait.ge [sflag:s18], $0x4000  }
0x2f: {  	[sflag:s18] =	ssyncset.done $0x0  }
0x30: {  	[sflag:s18] =	ssyncadd.s32 $0xFFFFC000  }
0x31: {  	[spmem:s10] =	stream.linear.scatter [tilespmem:s17], [sflag:$0x2], $0x3800, $0x38;
	[tilespmem:$0x17980] =	vst v63  }
0x32: {  	_ =	swait.ge [sflag:s18], $0x3800  }
0x33: {  	[sflag:s18] =	ssyncset.done $0x0  }
0x34: {  	s19 =	simm.s32 @!p0 $0x13980;
	[sflag:s18] =	ssyncadd.s32 $0xFFFFC800  }
0x35: {  	[spmem:s11] =	stream.linear.scatter @!p0 [tilespmem:s19], [sflag:$0x2], $0x800, $0x38;
	[tilespmem:$0x17980] =	vst v63  }
0x36: {  	s19 =	simm.s32 @!p0 $0x2  }
0x37: {  	_ =	swait.ge @!p0 [sflag:s19], $0x800  }
0x38: {  	p1 =	sgt.u32 s6, $0x4E1;
	[sflag:s19] =	ssyncset.done @!p0 $0x0  }
0x39: {  	s20 =	simm.s32 @!p1 $0x0;
	s21 =	simm.s32 @!p1 $0x13880;
	[sflag:s19] =	ssyncadd.s32 @!p0 $0xFFFFF800  }
0x3a: {  	s22 =	simm.s32 @!p1 $0x3;
	s19 =	sadd.s32 @!p1 $0x0, s16;
	[bflag:$0x0] =	sbarrier.arrive $0xFFFF  }
0x3b: {  	[tilespmem:s21], [sflag:$0x3] =	stream.linear.gather @!p1 [hbm4b:s19+s20], $0x80, $0x38;
	[tilespmem:$0x17980] =	vst v63  }
0x3c: {  	_ =	swait.ge @!p1 [sflag:s22], $0x80  }
0x3d: {  	[sflag:s22] =	ssyncset.done @!p1 $0x0  }
0x3e: {  	s23 =	simm.s32 @!p1 $0x13900;
	s19 =	sadd.s32 @!p1 $0x0, s15;
	[sflag:s22] =	ssyncadd.s32 @!p1 $0xFFFFFF80  }
0x3f: {  	[tilespmem:s23], [sflag:$0x3] =	stream.linear.gather @!p1 [hbm4b:s19+s20], $0x80, $0x38;
	[tilespmem:$0x17980] =	vst v63  }
0x40: {  	_ =	swait.ge @!p1 [sflag:s22], $0x80;
	p1 =	por p1, p1  }
0x41: {  	[sflag:s22] =	ssyncset.done @!p1 $0x0;
	s19 =	simm.s32 @!p1 $0x80  }
0x42: {  	s20 =	simm.s32 @!p1 $0x13980;
	[sflag:s22] =	ssyncadd.s32 @!p1 $0xFFFFFF80;
	s22 =	simm.s32 @!p1 $0x1  }
0x43: {  	[tilespmem:s20], [sflag:$0x1] =	stream.indirect.gather @!p1 [hbm4b:s4+s19], $0x80, s21, s19, $0xb8;
	[tilespmem:$0x17980] =	vst v63  }
0x44: {  	_ =	swait.ge @!p1 [sflag:s22], $0x4000  }
0x45: {  	[sflag:s22] =	ssyncset.done @!p1 $0x0  }
0x46: {  	[sflag:s22] =	ssyncadd.s32 @!p1 $0xFFFFC000  }
0x47: {  	[spmem:s1] =	stream.indirect.scatter.add.f32 @!p1 [tilespmem:s20], [sflag:$0x2], $0x80, s23, s19, $0xb8;
	[tilespmem:$0x17980] =	vst v63  }
0x48: {  	s21 =	simm.s32 $0x400;
	s22 =	simm.s32 @!p1 $0x2;
	s20 =	sadd.s32 $0x20, s6  }
0x49: {  	s19 =	simm.s32 $0x200;
	p2 =	sgt.u32 s20, $0x4E1;
	_ =	swait.ge @!p1 [sflag:s22], $0x4000  }
.LBB2_4:
0x4a: {  	s23 =	sadd.s32 @!p2 s19, s16;
	s24 =	simm.s32 @!p2 $0x0;
	[sflag:s22] =	ssyncset.done @!p1 $0x0  }
0x4b: {  	s25 =	simm.s32 @!p2 $0x13880;
	s26 =	simm.s32 @!p2 $0x3;
	[sflag:s22] =	ssyncadd.s32 @!p1 $0xFFFFC000  }
0x4c: {  	[tilespmem:s25], [sflag:$0x3] =	stream.linear.gather @!p2 [hbm4b:s23+s24], $0x80, $0x38;
	[tilespmem:$0x17980] =	vst v63  }
0x4d: {  	s22 =	smov.u32 s21;
	s21 =	sadd.s32 $0x200, s21;
	_ =	swait.ge @!p2 [sflag:s26], $0x80  }
0x4e: {  	s28 =	simm.s32 @!p2 $0x13900;
	s23 =	sadd.s32 @!p2 s19, s15;
	[sflag:s26] =	ssyncset.done @!p2 $0x0  }
0x4f: {  	p3 =	sne.s32 s21, $0x5000;
	s19 =	smov.u32 s22;
	[sflag:s26] =	ssyncadd.s32 @!p2 $0xFFFFFF80  }
0x50: {  	[tilespmem:s28], [sflag:$0x3] =	stream.linear.gather @!p2 [hbm4b:s23+s24], $0x80, $0x38;
	[tilespmem:$0x17980] =	vst v63  }
0x51: {  	p1 =	por p2, p2;
	_ =	swait.ge @!p2 [sflag:s26], $0x80  }
0x52: {  	s23 =	simm.s32 @!p1 $0x80;
	s24 =	simm.s32 @!p1 $0x13980;
	[sflag:s26] =	ssyncset.done @!p1 $0x0  }
0x53: {  	s22 =	simm.s32 @!p1 $0x1;
	[sflag:s26] =	ssyncadd.s32 @!p1 $0xFFFFFF80  }
0x54: {  	[tilespmem:s24], [sflag:$0x1] =	stream.indirect.gather @!p1 [hbm4b:s4+s23], $0x80, s25, s23, $0xb8;
	[tilespmem:$0x17980] =	vst v63  }
.Ltmp1:
0x55: {  	_ =	swait.ge @!p1 [sflag:s22], $0x4000;
	(pc) =	sbr.rel @p3 .LBB2_4-.Ltmp1, $4  }
0x56: {  	[sflag:s22] =	ssyncset.done @!p1 $0x0  }
0x57: {  	s20 =	sadd.s32 $0x20, s20;
	[sflag:s22] =	ssyncadd.s32 @!p1 $0xFFFFC000;
	s22 =	simm.s32 @!p1 $0x2  }
0x58: {  	[spmem:s1] =	stream.indirect.scatter.add.f32 @!p1 [tilespmem:s24], [sflag:$0x2], $0x80, s28, s23, $0xb8;
	[tilespmem:$0x17980] =	vst v63  }
0x59: {  	p2 =	sgt.u32 s20, $0x4E1;
	_ =	swait.ge @!p1 [sflag:s22], $0x4000  }
0x5a: {  	s20 =	sadd.s32 @!p2 s19, s16;
	s21 =	simm.s32 @!p2 $0x0;
	[sflag:s22] =	ssyncset.done @!p1 $0x0  }
0x5b: {  	s23 =	simm.s32 @!p2 $0x13880;
	s24 =	simm.s32 @!p2 $0x3;
	[sflag:s22] =	ssyncadd.s32 @!p1 $0xFFFFC000  }
0x5c: {  	[tilespmem:s23], [sflag:$0x3] =	stream.linear.gather @!p2 [hbm4b:s20+s21], $0x80, $0x38;
	[tilespmem:$0x17980] =	vst v63  }
0x5d: {  	_ =	swait.ge @!p2 [sflag:s24], $0x80  }
0x5e: {  	[sflag:s24] =	ssyncset.done @!p2 $0x0  }
0x5f: {  	s19 =	sadd.s32 @!p2 s19, s15;
	s20 =	simm.s32 @!p2 $0x13900;
	[sflag:s24] =	ssyncadd.s32 @!p2 $0xFFFFFF80  }
0x60: {  	[tilespmem:s20], [sflag:$0x3] =	stream.linear.gather @!p2 [hbm4b:s19+s21], $0x80, $0x38;
	[tilespmem:$0x17980] =	vst v63  }
0x61: {  	p1 =	por p2, p2;
	_ =	swait.ge @!p2 [sflag:s24], $0x80  }
0x62: {  	s22 =	simm.s32 @!p1 $0x1;
	[sflag:s24] =	ssyncset.done @!p1 $0x0  }
0x63: {  	s19 =	simm.s32 @!p1 $0x80;
	s21 =	simm.s32 @!p1 $0x13980;
	[sflag:s24] =	ssyncadd.s32 @!p1 $0xFFFFFF80  }
0x64: {  	[tilespmem:s21], [sflag:$0x1] =	stream.indirect.gather @!p1 [hbm4b:s4+s19], $0x80, s23, s19, $0xb8;
	[tilespmem:$0x17980] =	vst v63  }
0x65: {  	_ =	swait.ge @!p1 [sflag:s22], $0x4000  }
0x66: {  	[sflag:s22] =	ssyncset.done @!p1 $0x0  }
0x67: {  	[sflag:s22] =	ssyncadd.s32 @!p1 $0xFFFFC000;
	s22 =	simm.s32 @!p1 $0x2  }
0x68: {  	[spmem:s1] =	stream.indirect.scatter.add.f32 @!p1 [tilespmem:s21], [sflag:$0x2], $0x80, s20, s19, $0xb8;
	[tilespmem:$0x17980] =	vst v63  }
0x69: {  	_ =	swait.ge @!p1 [sflag:s22], $0x4000  }
0x6a: {  	[sflag:s22] =	ssyncset.done @!p1 $0x0  }
0x6b: {  	s30 =	sshll.u32 s3, $0x6;
	[sflag:s22] =	ssyncadd.s32 @!p1 $0xFFFFC000  }
0x6c: {  	s31 =	sshrl.u32 s5, $0x3;
	s19 =	sor.u32 $0x1C02, s30;
	[bflag:$0x0] =	sbarrier.arrive $0xFFFF  }
0x6d: {  	[hbm:s12], [sflag:s19] =	dma.local [spmem:s31], $0x2700  }
0x6e: {  	_ =	swait.ge [sflag:s18], $0x2700  }
0x6f: {  	s2 =	sadd.s32 $0x1, s2;
	[sflag:s18] =	ssyncset.done $0x0  }
0x70: {  	s20 =	sshrl.u32 @!p0 s11, $0x3;
	p1 =	sne.s32 s2, s14;
	[sflag:s18] =	ssyncadd.s32 $0xFFFFD900  }
0x71: {  	[hbm:s13], [sflag:s19] =	dma.local @!p0 [spmem:s20], $0x100  }
.Ltmp2:
0x72: {  	_ = 	snop;
	(pc) =	sbr.rel @p1 .LBB2_1-.Ltmp2, $4  }
0x73: {  	s19 =	simm.s32 @!p0 $0x2  }
0x74: {  	_ =	swait.ge @!p0 [sflag:s19], $0x100  }
0x75: {  	[sflag:s19] =	ssyncset.done @!p0 $0x0  }
0x76: {  	[sflag:s19] =	ssyncadd.s32 @!p0 $0xFFFFFF00  }
0x77: {  	_ =	sfence.sel $0x180000  }
0x78: {  	[bflag:$0x0] =	sbarrier.arrive $0xFFFF  }
0x79: {  	_ =	strace $0x9000004A  }
0x7a: {  	s0 =	sadd.s32 @!p0 $0x100000, s0;
	[bflag:$0x2] =	sbarrier.arrive $0xFFFF  }
0x7b: {  	[sflag:s0] =	ssyncadd.tile.s32 @!p0 $0x1;
	_ =	shalt  }
.Lfunc_end2:
_tile_overlayer_lowered:
.L_overlay_start_2:
0x7c: {  	(tag) =	ssettag $0x2  }
0x7d: {  	s0 =	rddreg [dreg:$0x0];
	s2 =	stileid.u32  }
0x7e: {  	s1 =	rddreg [dreg:$0x1];
	p0 =	sne.s32 s2, $0x0  }
0x7f: {  	s3 =	rddreg [dreg:$0x2];
	[bflag:$0x3] =	sbarrier.arrive $0xFFFF;
	s2 =	simm.s32 @!p0 $0x1C02  }
0x80: {  	[timem:s3], [sflag:s2] =	dma.local @!p0 [hbm:s0], s1  }
0x81: {  	s0 =	simm.s32 @!p0 $0x2  }
0x82: {  	_ =	swait.ge @!p0 [sflag:s0], s1  }
0x83: {  	s1 =	ssub.s32 @!p0 $0x0, s1;
	[sflag:s0] =	ssyncset.done @!p0 $0x0  }
0x84: {  	[sflag:s0] =	ssyncadd.s32 @!p0 s1  }
0x85: {  	[bflag:$0x3] =	sbarrier.arrive $0xFFFF  }
0x86: {  	_ =	shalt  }

</sc_bundles>
